<compile_context>
chip_gen: v7x
topology: tpu7x:2x2x1
jax: 0.10.2.dev20260603
libtpu: 0.0.44.dev20260713+nightly
codegen_flags: <defaults>
</compile_context>

<pallas_src>
import functools

import jax
import jax.numpy as jnp
from jax import lax
from jax.experimental import pallas as pl
from jax.experimental.pallas import tpu as pltpu
from jax.experimental.pallas import tpu_sc as plsc

R = 100
P = 2048
LANES = 16
MV = 8
BATCH = MV * LANES



def _conv_body(x_ref, w_ref, o_ref):
    x = x_ref[...]
    w = w_ref[...]
    acc = x[:, 0:128] * w[:, 0:128]
    for s in range(1, P // 128):
        acc = acc + x[:, s * 128:(s + 1) * 128] * w[:, s * 128:(s + 1) * 128]
    o_ref[...] = jnp.sum(acc, axis=1, keepdims=True)


def _conv_embed(x2, w2, block_rows):
    rows = x2.shape[0]
    grid = rows // block_rows
    return pl.pallas_call(
        _conv_body,
        grid=(grid,),
        in_specs=[
            pl.BlockSpec((block_rows, P), lambda i: (i, 0)),
            pl.BlockSpec((1, P), lambda i: (0, 0)),
        ],
        out_specs=pl.BlockSpec((block_rows, 1), lambda i: (i, 0)),
        out_shape=jax.ShapeDtypeStruct((rows, 1), jnp.float32),
    )(x2, w2)



def _s16(v, desc):
    k, _ = plsc.sort_key_val(v, v, descending=desc)
    return k


def _vmerge(vs, desc):
    if len(vs) == 1:
        return [_s16(vs[0], desc)]
    h = len(vs) // 2
    hi = [jnp.maximum(vs[i], vs[i + h]) for i in range(h)]
    lo = [jnp.minimum(vs[i], vs[i + h]) for i in range(h)]
    new = (hi + lo) if desc else (lo + hi)
    return _vmerge(new[:h], desc) + _vmerge(new[h:], desc)


def _bsort(vs, desc):
    if len(vs) == 1:
        return [_s16(vs[0], desc)]
    h = len(vs) // 2
    return _vmerge(_bsort(vs[:h], True) + _bsort(vs[h:], False), desc)


def _rev(vs):
    return [lax.rev(v, (0,)) for v in reversed(vs)]


def _topk_pool(emb):
    B, N = emb.shape
    out_w = 2 * MV * LANES
    mesh = plsc.VectorSubcoreMesh(core_axis_name="c", subcore_axis_name="s",
                                  num_cores=2, num_subcores=16)

    @functools.partial(
        pl.kernel,
        out_type=jax.ShapeDtypeStruct((B, out_w), jnp.float32),
        mesh=mesh,
        scratch_types=[
            pltpu.VMEM((N,), jnp.float32),
            pltpu.VMEM((out_w,), jnp.float32),
        ],
        compiler_params=pltpu.CompilerParams(needs_layout_passes=False),
    )
    def topk_kernel(emb_hbm, out_hbm, row_v, out_v):
        wid = lax.axis_index("s") * 2 + lax.axis_index("c")

        @pl.when(wid < B)
        def _():
            pltpu.sync_copy(emb_hbm.at[wid], row_v)

            def load(base):
                return [row_v[pl.ds(base + LANES * j, LANES)] for j in range(MV)]

            top0 = _bsort(load(0), True)
            bot0 = _rev(top0)

            def body(i, carry):
                top = list(carry[:MV])
                bot = list(carry[MV:])
                s_asc = _bsort(load(i * BATCH), False)
                s_desc = _rev(s_asc)
                top = _vmerge(
                    [jnp.maximum(top[j], s_asc[j]) for j in range(MV)], True)
                bot = _vmerge(
                    [jnp.minimum(bot[j], s_desc[j]) for j in range(MV)], False)
                return tuple(top) + tuple(bot)

            fin = lax.fori_loop(1, N // BATCH, body, tuple(top0) + tuple(bot0))
            for j in range(MV):
                out_v[pl.ds(LANES * j, LANES)] = fin[j]
                out_v[pl.ds(MV * LANES + LANES * j, LANES)] = fin[MV + j]
            pltpu.sync_copy(out_v, out_hbm.at[wid])

    return topk_kernel(emb)



def _sig(x):
    return 1.0 / (1.0 + jnp.exp(-x))


def _mlp_body(t_ref, cb_ref, w1_ref, b1_ref, w2_ref, b2_ref, w3_ref, b3_ref,
              o_ref):
    t = t_ref[...]
    pooled = jnp.concatenate(
        [t[:, :R], t[:, MV * LANES:MV * LANES + R]], axis=1) + cb_ref[0, 0]
    h = _sig(jnp.dot(pooled, w1_ref[...],
                     preferred_element_type=jnp.float32) + b1_ref[...])
    h = _sig(jnp.dot(h, w2_ref[...],
                     preferred_element_type=jnp.float32) + b2_ref[...])
    y = jnp.dot(h, w3_ref[...], preferred_element_type=jnp.float32) + b3_ref[...]
    o_ref[...] = _sig(y)


def _mlp(t, conv_b, W1, b1, W2, b2, W3, b3):
    B = t.shape[0]
    return pl.pallas_call(
        _mlp_body,
        in_specs=[
            pl.BlockSpec(t.shape, lambda: (0, 0)),
            pl.BlockSpec(memory_space=pltpu.SMEM),
            pl.BlockSpec(W1.shape, lambda: (0, 0)),
            pl.BlockSpec((1, b1.shape[1]), lambda: (0, 0)),
            pl.BlockSpec(W2.shape, lambda: (0, 0)),
            pl.BlockSpec((1, b2.shape[1]), lambda: (0, 0)),
            pl.BlockSpec(W3.shape, lambda: (0, 0)),
            pl.BlockSpec((1, b3.shape[1]), lambda: (0, 0)),
        ],
        out_specs=pl.BlockSpec((B, 1), lambda: (0, 0)),
        out_shape=jax.ShapeDtypeStruct((B, 1), jnp.float32),
    )(t, conv_b, W1, b1, W2, b2, W3, b3)




def kernel(x, conv_w, conv_b, W1, b1, W2, b2, W3, b3):
    B = x.shape[0]
    L = x.shape[-1]
    n_tiles = L // P
    x2 = x.reshape(B * n_tiles, P)
    w2 = conv_w.reshape(1, P)
    emb = _conv_embed(x2, w2, block_rows=1024).reshape(B, n_tiles)
    pooled = _topk_pool(emb)
    cb = conv_b.reshape(1, 1)
    return _mlp(pooled, cb, W1, b1.reshape(1, -1), W2, b2.reshape(1, -1),
                W3, b3.reshape(1, -1))

# --- scband reference (transcript-rebuilt; emitter-appended) ---
"""Pipeline reference for scband-chowder-architecture-64673617543657 (READ-ONLY COPY).

The authoritative reference and input builder live on the scoring server;
editing this copy changes nothing except your own understanding.
"""

import jax, jax.numpy as jnp
import numpy as np

R = 100
P = 2048

def setup_inputs(seed: int = 0):
    key = jax.random.key(seed)
    ks = jax.random.split(key, 9)
    B = 4
    N_tiles = 8192
    L = P * N_tiles
    x = jax.random.normal(ks[0], (B, 1, L), dtype=jnp.float32)
    conv_w = jax.random.normal(ks[1], (P,), dtype=jnp.float32) * (1.0 / np.sqrt(P))
    conv_b = jax.random.normal(ks[2], (1,), dtype=jnp.float32) * 0.01
    W1 = jax.random.normal(ks[3], (2 * R, 200), dtype=jnp.float32) * (1.0 / np.sqrt(2 * R))
    b1 = jnp.zeros((200,), dtype=jnp.float32)
    W2 = jax.random.normal(ks[4], (200, 100), dtype=jnp.float32) * (1.0 / np.sqrt(200))
    b2 = jnp.zeros((100,), dtype=jnp.float32)
    W3 = jax.random.normal(ks[5], (100, 1), dtype=jnp.float32) * (1.0 / np.sqrt(100))
    b3 = jnp.zeros((1,), dtype=jnp.float32)
    return {"x": x, "conv_w": conv_w, "conv_b": conv_b, "W1": W1, "b1": b1, "W2": W2, "b2": b2, "W3": W3, "b3": b3}

def reference(x, conv_w, conv_b, W1, b1, W2, b2, W3, b3):
    B = x.shape[0]
    # Conv1d(1,1,P,stride=P) == reshape into tiles of P and dot with the kernel
    tiles = x.reshape(B, -1, P)                     # (B, N_tiles, P)
    emb = jnp.einsum('bnp,p->bn', tiles, conv_w) + conv_b[0]  # (B, N_tiles)
    # MinMax spatial pooling: top-R max and top-R min tile scores
    top_vals, _ = jax.lax.top_k(emb, R)             # (B, R)
    neg_bot, _ = jax.lax.top_k(-emb, R)
    bot_vals = -neg_bot                              # (B, R)
    pooled = jnp.concatenate([top_vals, bot_vals], axis=-1)  # (B, 2R)
    # Classifier (dropout is identity in eval mode)
    h = jax.nn.sigmoid(pooled @ W1 + b1)
    h = jax.nn.sigmoid(h @ W2 + b2)
    h = h @ W3 + b3
    return jax.nn.sigmoid(h)                        # (B, 1)

if __name__ == "__main__":
    import jax
    _d = setup_inputs()
    print(jax.jit(kernel)(*tuple(_d.values())))

</pallas_src>

<mosaic_0001>
#map = affine_map<(d0, d1) -> (0, 0)>
module attributes {stable_mosaic.version = 14 : i64} {
  func.func @topk_kernel(%arg0: i32, %arg1: i32, %arg2: memref<4x8192xf32, #tpu.memory_space<hbm>>, %arg3: memref<4x256xf32, #tpu.memory_space<hbm>>, %arg4: memref<8192xf32, #tpu.memory_space<vmem>>, %arg5: memref<256xf32, #tpu.memory_space<vmem>>) attributes {dimension_semantics = [#tpu.dimension_semantics<core_parallel>, #tpu.dimension_semantics<subcore_parallel>], iteration_bounds = array<i64: 2, 16>, scalar_prefetch = 0 : i64, scratch_operands = 2 : i64, tpu.core_type = #tpu.core_type<sc_vector_subcore>, window_params = [{transform_indices = #map}, {transform_indices = #map}]} {
    %mul3A = arith.constant 2 : i32
    %mul3A_0 = arith.muli %arg1, %mul3A : i32
    %add3A = arith.addi %mul3A_0, %arg0 : i32
    %lt3A = arith.constant 4 : i32
    %lt3A_1 = arith.cmpi slt, %add3A, %lt3A : i32
    %convert_element_type3A = arith.extui %lt3A_1 : i1 to i32
    %cond3A = arith.constant 0 : i32
    %cond3A_2 = arith.cmpi ne, %convert_element_type3A, %cond3A : i32
    scf.if %cond3A_2 {
      "tpu.region"() ({
        %run_scoped3A = tpu.sem_alloc : memref<!tpu.dma_semaphore, #tpu.memory_space<semaphore_mem>>
        %dma_start3A = arith.constant 0 : i32
        %dma_start3A_266 = tpu.memref_slice %arg2[%add3A, %dma_start3A] : memref<4x8192xf32, #tpu.memory_space<hbm>> -> memref<1x8192xf32, #tpu.memory_space<hbm>>
        %dma_start3A_267 = tpu.memref_squeeze %dma_start3A_266 : memref<1x8192xf32, #tpu.memory_space<hbm>> -> memref<8192xf32, #tpu.memory_space<hbm>>
        %dma_start3A_268 = arith.constant 0 : i32
        %dma_start3A_269 = tpu.memref_slice %arg2[%add3A, %dma_start3A_268] : memref<4x8192xf32, #tpu.memory_space<hbm>> -> memref<1x8192xf32, #tpu.memory_space<hbm>>
        %dma_start3A_270 = tpu.memref_squeeze %dma_start3A_269 : memref<1x8192xf32, #tpu.memory_space<hbm>> -> memref<8192xf32, #tpu.memory_space<hbm>>
        tpu.enqueue_dma source(%dma_start3A_270 : memref<8192xf32, #tpu.memory_space<hbm>>) target(%arg4 : memref<8192xf32, #tpu.memory_space<vmem>>) target_semaphore(%run_scoped3A : memref<!tpu.dma_semaphore, #tpu.memory_space<semaphore_mem>>)
        %dma_wait3A = arith.constant 0 : i32
        %dma_wait3A_271 = tpu.memref_slice %arg2[%add3A, %dma_wait3A] : memref<4x8192xf32, #tpu.memory_space<hbm>> -> memref<1x8192xf32, #tpu.memory_space<hbm>>
        %dma_wait3A_272 = tpu.memref_squeeze %dma_wait3A_271 : memref<1x8192xf32, #tpu.memory_space<hbm>> -> memref<8192xf32, #tpu.memory_space<hbm>>
        %dma_wait3A_273 = arith.constant 0 : i32
        %dma_wait3A_274 = tpu.memref_slice %arg2[%add3A, %dma_wait3A_273] : memref<4x8192xf32, #tpu.memory_space<hbm>> -> memref<1x8192xf32, #tpu.memory_space<hbm>>
        %dma_wait3A_275 = tpu.memref_squeeze %dma_wait3A_274 : memref<1x8192xf32, #tpu.memory_space<hbm>> -> memref<8192xf32, #tpu.memory_space<hbm>>
        tpu.wait_dma2 semaphore(%run_scoped3A : memref<!tpu.dma_semaphore, #tpu.memory_space<semaphore_mem>>) src(%dma_wait3A_275 : memref<8192xf32, #tpu.memory_space<hbm>>) dst(%arg4 : memref<8192xf32, #tpu.memory_space<vmem>>)
        tpu.yield
      }) : () -> ()
      %get3A = arith.constant 0 : index
      %get3A_3 = tpu.vector_load %arg4[%get3A] {strides = array<i32>} : memref<8192xf32, #tpu.memory_space<vmem>>, vector<16xf32>,
      %get3A_4 = arith.constant 16 : index
      %get3A_5 = tpu.vector_load %arg4[%get3A_4] {strides = array<i32>} : memref<8192xf32, #tpu.memory_space<vmem>>, vector<16xf32>,
      %get3A_6 = arith.constant 32 : index
      %get3A_7 = tpu.vector_load %arg4[%get3A_6] {strides = array<i32>} : memref<8192xf32, #tpu.memory_space<vmem>>, vector<16xf32>,
      %get3A_8 = arith.constant 48 : index
      %get3A_9 = tpu.vector_load %arg4[%get3A_8] {strides = array<i32>} : memref<8192xf32, #tpu.memory_space<vmem>>, vector<16xf32>,
      %get3A_10 = arith.constant 64 : index
      %get3A_11 = tpu.vector_load %arg4[%get3A_10] {strides = array<i32>} : memref<8192xf32, #tpu.memory_space<vmem>>, vector<16xf32>,
      %get3A_12 = arith.constant 80 : index
      %get3A_13 = tpu.vector_load %arg4[%get3A_12] {strides = array<i32>} : memref<8192xf32, #tpu.memory_space<vmem>>, vector<16xf32>,
      %get3A_14 = arith.constant 96 : index
      %get3A_15 = tpu.vector_load %arg4[%get3A_14] {strides = array<i32>} : memref<8192xf32, #tpu.memory_space<vmem>>, vector<16xf32>,
      %get3A_16 = arith.constant 112 : index
      %get3A_17 = tpu.vector_load %arg4[%get3A_16] {strides = array<i32>} : memref<8192xf32, #tpu.memory_space<vmem>>, vector<16xf32>,
      %masked_sort3A = arith.constant dense<true> : vector<16xi1>
      %masked_sort3A_18, %masked_sort3A_19, %masked_sort3A_20 = tpu.sort %get3A_3, %get3A_3 masked %masked_sort3A {descending = true} : (vector<16xf32>, vector<16xf32>, vector<16xi1>) -> (vector<16xi1>, vector<16xf32>, vector<16xf32>)
      %masked_sort3A_21 = arith.constant dense<true> : vector<16xi1>
      %masked_sort3A_22, %masked_sort3A_23, %masked_sort3A_24 = tpu.sort %get3A_5, %get3A_5 masked %masked_sort3A_21 : (vector<16xf32>, vector<16xf32>, vector<16xi1>) -> (vector<16xi1>, vector<16xf32>, vector<16xf32>)
      %max3A = arith.maximumf %masked_sort3A_19, %masked_sort3A_23 : vector<16xf32>
      %min3A = arith.minimumf %masked_sort3A_19, %masked_sort3A_23 : vector<16xf32>
      %masked_sort3A_25 = arith.constant dense<true> : vector<16xi1>
      %masked_sort3A_26, %masked_sort3A_27, %masked_sort3A_28 = tpu.sort %max3A, %max3A masked %masked_sort3A_25 {descending = true} : (vector<16xf32>, vector<16xf32>, vector<16xi1>) -> (vector<16xi1>, vector<16xf32>, vector<16xf32>)
      %masked_sort3A_29 = arith.constant dense<true> : vector<16xi1>
      %masked_sort3A_30, %masked_sort3A_31, %masked_sort3A_32 = tpu.sort %min3A, %min3A masked %masked_sort3A_29 {descending = true} : (vector<16xf32>, vector<16xf32>, vector<16xi1>) -> (vector<16xi1>, vector<16xf32>, vector<16xf32>)
      %masked_sort3A_33 = arith.constant dense<true> : vector<16xi1>
      %masked_sort3A_34, %masked_sort3A_35, %masked_sort3A_36 = tpu.sort %get3A_7, %get3A_7 masked %masked_sort3A_33 {descending = true} : (vector<16xf32>, vector<16xf32>, vector<16xi1>) -> (vector<16xi1>, vector<16xf32>, vector<16xf32>)
      %masked_sort3A_37 = arith.constant dense<true> : vector<16xi1>
      %masked_sort3A_38, %masked_sort3A_39, %masked_sort3A_40 = tpu.sort %get3A_9, %get3A_9 masked %masked_sort3A_37 : (vector<16xf32>, vector<16xf32>, vector<16xi1>) -> (vector<16xi1>, vector<16xf32>, vector<16xf32>)
      %max3A_41 = arith.maximumf %masked_sort3A_35, %masked_sort3A_39 : vector<16xf32>
      %min3A_42 = arith.minimumf %masked_sort3A_35, %masked_sort3A_39 : vector<16xf32>
      %masked_sort3A_43 = arith.constant dense<true> : vector<16xi1>
      %masked_sort3A_44, %masked_sort3A_45, %masked_sort3A_46 = tpu.sort %min3A_42, %min3A_42 masked %masked_sort3A_43 : (vector<16xf32>, vector<16xf32>, vector<16xi1>) -> (vector<16xi1>, vector<16xf32>, vector<16xf32>)
      %masked_sort3A_47 = arith.constant dense<true> : vector<16xi1>
      %masked_sort3A_48, %masked_sort3A_49, %masked_sort3A_50 = tpu.sort %max3A_41, %max3A_41 masked %masked_sort3A_47 : (vector<16xf32>, vector<16xf32>, vector<16xi1>) -> (vector<16xi1>, vector<16xf32>, vector<16xf32>)
      %max3A_51 = arith.maximumf %masked_sort3A_27, %masked_sort3A_45 : vector<16xf32>
      %max3A_52 = arith.maximumf %masked_sort3A_31, %masked_sort3A_49 : vector<16xf32>
      %min3A_53 = arith.minimumf %masked_sort3A_27, %masked_sort3A_45 : vector<16xf32>
      %min3A_54 = arith.minimumf %masked_sort3A_31, %masked_sort3A_49 : vector<16xf32>
      %max3A_55 = arith.maximumf %max3A_51, %max3A_52 : vector<16xf32>
      %min3A_56 = arith.minimumf %max3A_51, %max3A_52 : vector<16xf32>
      %masked_sort3A_57 = arith.constant dense<true> : vector<16xi1>
      %masked_sort3A_58, %masked_sort3A_59, %masked_sort3A_60 = tpu.sort %max3A_55, %max3A_55 masked %masked_sort3A_57 {descending = true} : (vector<16xf32>, vector<16xf32>, vector<16xi1>) -> (vector<16xi1>, vector<16xf32>, vector<16xf32>)
      %masked_sort3A_61 = arith.constant dense<true> : vector<16xi1>
      %masked_sort3A_62, %masked_sort3A_63, %masked_sort3A_64 = tpu.sort %min3A_56, %min3A_56 masked %masked_sort3A_61 {descending = true} : (vector<16xf32>, vector<16xf32>, vector<16xi1>) -> (vector<16xi1>, vector<16xf32>, vector<16xf32>)
      %max3A_65 = arith.maximumf %min3A_53, %min3A_54 : vector<16xf32>
      %min3A_66 = arith.minimumf %min3A_53, %min3A_54 : vector<16xf32>
      %masked_sort3A_67 = arith.constant dense<true> : vector<16xi1>
      %masked_sort3A_68, %masked_sort3A_69, %masked_sort3A_70 = tpu.sort %max3A_65, %max3A_65 masked %masked_sort3A_67 {descending = true} : (vector<16xf32>, vector<16xf32>, vector<16xi1>) -> (vector<16xi1>, vector<16xf32>, vector<16xf32>)
      %masked_sort3A_71 = arith.constant dense<true> : vector<16xi1>
      %masked_sort3A_72, %masked_sort3A_73, %masked_sort3A_74 = tpu.sort %min3A_66, %min3A_66 masked %masked_sort3A_71 {descending = true} : (vector<16xf32>, vector<16xf32>, vector<16xi1>) -> (vector<16xi1>, vector<16xf32>, vector<16xf32>)
      %masked_sort3A_75 = arith.constant dense<true> : vector<16xi1>
      %masked_sort3A_76, %masked_sort3A_77, %masked_sort3A_78 = tpu.sort %get3A_11, %get3A_11 masked %masked_sort3A_75 {descending = true} : (vector<16xf32>, vector<16xf32>, vector<16xi1>) -> (vector<16xi1>, vector<16xf32>, vector<16xf32>)
      %masked_sort3A_79 = arith.constant dense<true> : vector<16xi1>
      %masked_sort3A_80, %masked_sort3A_81, %masked_sort3A_82 = tpu.sort %get3A_13, %get3A_13 masked %masked_sort3A_79 : (vector<16xf32>, vector<16xf32>, vector<16xi1>) -> (vector<16xi1>, vector<16xf32>, vector<16xf32>)
      %max3A_83 = arith.maximumf %masked_sort3A_77, %masked_sort3A_81 : vector<16xf32>
      %min3A_84 = arith.minimumf %masked_sort3A_77, %masked_sort3A_81 : vector<16xf32>
      %masked_sort3A_85 = arith.constant dense<true> : vector<16xi1>
      %masked_sort3A_86, %masked_sort3A_87, %masked_sort3A_88 = tpu.sort %max3A_83, %max3A_83 masked %masked_sort3A_85 {descending = true} : (vector<16xf32>, vector<16xf32>, vector<16xi1>) -> (vector<16xi1>, vector<16xf32>, vector<16xf32>)
      %masked_sort3A_89 = arith.constant dense<true> : vector<16xi1>
      %masked_sort3A_90, %masked_sort3A_91, %masked_sort3A_92 = tpu.sort %min3A_84, %min3A_84 masked %masked_sort3A_89 {descending = true} : (vector<16xf32>, vector<16xf32>, vector<16xi1>) -> (vector<16xi1>, vector<16xf32>, vector<16xf32>)
      %masked_sort3A_93 = arith.constant dense<true> : vector<16xi1>
      %masked_sort3A_94, %masked_sort3A_95, %masked_sort3A_96 = tpu.sort %get3A_15, %get3A_15 masked %masked_sort3A_93 {descending = true} : (vector<16xf32>, vector<16xf32>, vector<16xi1>) -> (vector<16xi1>, vector<16xf32>, vector<16xf32>)
      %masked_sort3A_97 = arith.constant dense<true> : vector<16xi1>
      %masked_sort3A_98, %masked_sort3A_99, %masked_sort3A_100 = tpu.sort %get3A_17, %get3A_17 masked %masked_sort3A_97 : (vector<16xf32>, vector<16xf32>, vector<16xi1>) -> (vector<16xi1>, vector<16xf32>, vector<16xf32>)
      %max3A_101 = arith.maximumf %masked_sort3A_95, %masked_sort3A_99 : vector<16xf32>
      %min3A_102 = arith.minimumf %masked_sort3A_95, %masked_sort3A_99 : vector<16xf32>
      %masked_sort3A_103 = arith.constant dense<true> : vector<16xi1>
      %masked_sort3A_104, %masked_sort3A_105, %masked_sort3A_106 = tpu.sort %min3A_102, %min3A_102 masked %masked_sort3A_103 : (vector<16xf32>, vector<16xf32>, vector<16xi1>) -> (vector<16xi1>, vector<16xf32>, vector<16xf32>)
      %masked_sort3A_107 = arith.constant dense<true> : vector<16xi1>
      %masked_sort3A_108, %masked_sort3A_109, %masked_sort3A_110 = tpu.sort %max3A_101, %max3A_101 masked %masked_sort3A_107 : (vector<16xf32>, vector<16xf32>, vector<16xi1>) -> (vector<16xi1>, vector<16xf32>, vector<16xf32>)
      %max3A_111 = arith.maximumf %masked_sort3A_87, %masked_sort3A_105 : vector<16xf32>
      %max3A_112 = arith.maximumf %masked_sort3A_91, %masked_sort3A_109 : vector<16xf32>
      %min3A_113 = arith.minimumf %masked_sort3A_87, %masked_sort3A_105 : vector<16xf32>
      %min3A_114 = arith.minimumf %masked_sort3A_91, %masked_sort3A_109 : vector<16xf32>
      %max3A_115 = arith.maximumf %min3A_113, %min3A_114 : vector<16xf32>
      %min3A_116 = arith.minimumf %min3A_113, %min3A_114 : vector<16xf32>
      %masked_sort3A_117 = arith.constant dense<true> : vector<16xi1>
      %masked_sort3A_118, %masked_sort3A_119, %masked_sort3A_120 = tpu.sort %min3A_116, %min3A_116 masked %masked_sort3A_117 : (vector<16xf32>, vector<16xf32>, vector<16xi1>) -> (vector<16xi1>, vector<16xf32>, vector<16xf32>)
      %masked_sort3A_121 = arith.constant dense<true> : vector<16xi1>
      %masked_sort3A_122, %masked_sort3A_123, %masked_sort3A_124 = tpu.sort %max3A_115, %max3A_115 masked %masked_sort3A_121 : (vector<16xf32>, vector<16xf32>, vector<16xi1>) -> (vector<16xi1>, vector<16xf32>, vector<16xf32>)
      %max3A_125 = arith.maximumf %max3A_111, %max3A_112 : vector<16xf32>
      %min3A_126 = arith.minimumf %max3A_111, %max3A_112 : vector<16xf32>
      %masked_sort3A_127 = arith.constant dense<true> : vector<16xi1>
      %masked_sort3A_128, %masked_sort3A_129, %masked_sort3A_130 = tpu.sort %min3A_126, %min3A_126 masked %masked_sort3A_127 : (vector<16xf32>, vector<16xf32>, vector<16xi1>) -> (vector<16xi1>, vector<16xf32>, vector<16xf32>)
      %masked_sort3A_131 = arith.constant dense<true> : vector<16xi1>
      %masked_sort3A_132, %masked_sort3A_133, %masked_sort3A_134 = tpu.sort %max3A_125, %max3A_125 masked %masked_sort3A_131 : (vector<16xf32>, vector<16xf32>, vector<16xi1>) -> (vector<16xi1>, vector<16xf32>, vector<16xf32>)
      %max3A_135 = arith.maximumf %masked_sort3A_59, %masked_sort3A_119 : vector<16xf32>
      %max3A_136 = arith.maximumf %masked_sort3A_63, %masked_sort3A_123 : vector<16xf32>
      %max3A_137 = arith.maximumf %masked_sort3A_69, %masked_sort3A_129 : vector<16xf32>
      %max3A_138 = arith.maximumf %masked_sort3A_73, %masked_sort3A_133 : vector<16xf32>
      %min3A_139 = arith.minimumf %masked_sort3A_59, %masked_sort3A_119 : vector<16xf32>
      %min3A_140 = arith.minimumf %masked_sort3A_63, %masked_sort3A_123 : vector<16xf32>
      %min3A_141 = arith.minimumf %masked_sort3A_69, %masked_sort3A_129 : vector<16xf32>
      %min3A_142 = arith.minimumf %masked_sort3A_73, %masked_sort3A_133 : vector<16xf32>
      %max3A_143 = arith.maximumf %max3A_135, %max3A_137 : vector<16xf32>
      %max3A_144 = arith.maximumf %max3A_136, %max3A_138 : vector<16xf32>
      %min3A_145 = arith.minimumf %max3A_135, %max3A_137 : vector<16xf32>
      %min3A_146 = arith.minimumf %max3A_136, %max3A_138 : vector<16xf32>
      %max3A_147 = arith.maximumf %max3A_143, %max3A_144 : vector<16xf32>
      %min3A_148 = arith.minimumf %max3A_143, %max3A_144 : vector<16xf32>
      %masked_sort3A_149 = arith.constant dense<true> : vector<16xi1>
      %masked_sort3A_150, %masked_sort3A_151, %masked_sort3A_152 = tpu.sort %max3A_147, %max3A_147 masked %masked_sort3A_149 {descending = true} : (vector<16xf32>, vector<16xf32>, vector<16xi1>) -> (vector<16xi1>, vector<16xf32>, vector<16xf32>)
      %masked_sort3A_153 = arith.constant dense<true> : vector<16xi1>
      %masked_sort3A_154, %masked_sort3A_155, %masked_sort3A_156 = tpu.sort %min3A_148, %min3A_148 masked %masked_sort3A_153 {descending = true} : (vector<16xf32>, vector<16xf32>, vector<16xi1>) -> (vector<16xi1>, vector<16xf32>, vector<16xf32>)
      %max3A_157 = arith.maximumf %min3A_145, %min3A_146 : vector<16xf32>
      %min3A_158 = arith.minimumf %min3A_145, %min3A_146 : vector<16xf32>
      %masked_sort3A_159 = arith.constant dense<true> : vector<16xi1>
      %masked_sort3A_160, %masked_sort3A_161, %masked_sort3A_162 = tpu.sort %max3A_157, %max3A_157 masked %masked_sort3A_159 {descending = true} : (vector<16xf32>, vector<16xf32>, vector<16xi1>) -> (vector<16xi1>, vector<16xf32>, vector<16xf32>)
      %masked_sort3A_163 = arith.constant dense<true> : vector<16xi1>
      %masked_sort3A_164, %masked_sort3A_165, %masked_sort3A_166 = tpu.sort %min3A_158, %min3A_158 masked %masked_sort3A_163 {descending = true} : (vector<16xf32>, vector<16xf32>, vector<16xi1>) -> (vector<16xi1>, vector<16xf32>, vector<16xf32>)
      %max3A_167 = arith.maximumf %min3A_139, %min3A_141 : vector<16xf32>
      %max3A_168 = arith.maximumf %min3A_140, %min3A_142 : vector<16xf32>
      %min3A_169 = arith.minimumf %min3A_139, %min3A_141 : vector<16xf32>
      %min3A_170 = arith.minimumf %min3A_140, %min3A_142 : vector<16xf32>
      %max3A_171 = arith.maximumf %max3A_167, %max3A_168 : vector<16xf32>
      %min3A_172 = arith.minimumf %max3A_167, %max3A_168 : vector<16xf32>
      %masked_sort3A_173 = arith.constant dense<true> : vector<16xi1>
      %masked_sort3A_174, %masked_sort3A_175, %masked_sort3A_176 = tpu.sort %max3A_171, %max3A_171 masked %masked_sort3A_173 {descending = true} : (vector<16xf32>, vector<16xf32>, vector<16xi1>) -> (vector<16xi1>, vector<16xf32>, vector<16xf32>)
      %masked_sort3A_177 = arith.constant dense<true> : vector<16xi1>
      %masked_sort3A_178, %masked_sort3A_179, %masked_sort3A_180 = tpu.sort %min3A_172, %min3A_172 masked %masked_sort3A_177 {descending = true} : (vector<16xf32>, vector<16xf32>, vector<16xi1>) -> (vector<16xi1>, vector<16xf32>, vector<16xf32>)
      %max3A_181 = arith.maximumf %min3A_169, %min3A_170 : vector<16xf32>
      %min3A_182 = arith.minimumf %min3A_169, %min3A_170 : vector<16xf32>
      %masked_sort3A_183 = arith.constant dense<true> : vector<16xi1>
      %masked_sort3A_184, %masked_sort3A_185, %masked_sort3A_186 = tpu.sort %max3A_181, %max3A_181 masked %masked_sort3A_183 {descending = true} : (vector<16xf32>, vector<16xf32>, vector<16xi1>) -> (vector<16xi1>, vector<16xf32>, vector<16xf32>)
      %masked_sort3A_187 = arith.constant dense<true> : vector<16xi1>
      %masked_sort3A_188, %masked_sort3A_189, %masked_sort3A_190 = tpu.sort %min3A_182, %min3A_182 masked %masked_sort3A_187 {descending = true} : (vector<16xf32>, vector<16xf32>, vector<16xi1>) -> (vector<16xi1>, vector<16xf32>, vector<16xf32>)
      %rev3A = arith.constant 15 : i32
      %rev3A_191 = vector.broadcast %rev3A : i32 to vector<16xi32>
      %rev3A_192 = tpu.iota {dimensions = array<i32: 0>} : vector<16xi32>
      %rev3A_193 = arith.subi %rev3A_191, %rev3A_192 : vector<16xi32>
      %rev3A_194 = tpu.dynamic_gather %masked_sort3A_189[%rev3A_193] in [0] : vector<16xf32>, vector<16xi32> -> vector<16xf32>
      %rev3A_195 = arith.constant 15 : i32
      %rev3A_196 = vector.broadcast %rev3A_195 : i32 to vector<16xi32>
      %rev3A_197 = tpu.iota {dimensions = array<i32: 0>} : vector<16xi32>
      %rev3A_198 = arith.subi %rev3A_196, %rev3A_197 : vector<16xi32>
      %rev3A_199 = tpu.dynamic_gather %masked_sort3A_185[%rev3A_198] in [0] : vector<16xf32>, vector<16xi32> -> vector<16xf32>
      %rev3A_200 = arith.constant 15 : i32
      %rev3A_201 = vector.broadcast %rev3A_200 : i32 to vector<16xi32>
      %rev3A_202 = tpu.iota {dimensions = array<i32: 0>} : vector<16xi32>
      %rev3A_203 = arith.subi %rev3A_201, %rev3A_202 : vector<16xi32>
      %rev3A_204 = tpu.dynamic_gather %masked_sort3A_179[%rev3A_203] in [0] : vector<16xf32>, vector<16xi32> -> vector<16xf32>
      %rev3A_205 = arith.constant 15 : i32
      %rev3A_206 = vector.broadcast %rev3A_205 : i32 to vector<16xi32>
      %rev3A_207 = tpu.iota {dimensions = array<i32: 0>} : vector<16xi32>
      %rev3A_208 = arith.subi %rev3A_206, %rev3A_207 : vector<16xi32>
      %rev3A_209 = tpu.dynamic_gather %masked_sort3A_175[%rev3A_208] in [0] : vector<16xf32>, vector<16xi32> -> vector<16xf32>
      %rev3A_210 = arith.constant 15 : i32
      %rev3A_211 = vector.broadcast %rev3A_210 : i32 to vector<16xi32>
      %rev3A_212 = tpu.iota {dimensions = array<i32: 0>} : vector<16xi32>
      %rev3A_213 = arith.subi %rev3A_211, %rev3A_212 : vector<16xi32>
      %rev3A_214 = tpu.dynamic_gather %masked_sort3A_165[%rev3A_213] in [0] : vector<16xf32>, vector<16xi32> -> vector<16xf32>
      %rev3A_215 = arith.constant 15 : i32
      %rev3A_216 = vector.broadcast %rev3A_215 : i32 to vector<16xi32>
      %rev3A_217 = tpu.iota {dimensions = array<i32: 0>} : vector<16xi32>
      %rev3A_218 = arith.subi %rev3A_216, %rev3A_217 : vector<16xi32>
      %rev3A_219 = tpu.dynamic_gather %masked_sort3A_161[%rev3A_218] in [0] : vector<16xf32>, vector<16xi32> -> vector<16xf32>
      %rev3A_220 = arith.constant 15 : i32
      %rev3A_221 = vector.broadcast %rev3A_220 : i32 to vector<16xi32>
      %rev3A_222 = tpu.iota {dimensions = array<i32: 0>} : vector<16xi32>
      %rev3A_223 = arith.subi %rev3A_221, %rev3A_222 : vector<16xi32>
      %rev3A_224 = tpu.dynamic_gather %masked_sort3A_155[%rev3A_223] in [0] : vector<16xf32>, vector<16xi32> -> vector<16xf32>
      %rev3A_225 = arith.constant 15 : i32
      %rev3A_226 = vector.broadcast %rev3A_225 : i32 to vector<16xi32>
      %rev3A_227 = tpu.iota {dimensions = array<i32: 0>} : vector<16xi32>
      %rev3A_228 = arith.subi %rev3A_226, %rev3A_227 : vector<16xi32>
      %rev3A_229 = tpu.dynamic_gather %masked_sort3A_151[%rev3A_228] in [0] : vector<16xf32>, vector<16xi32> -> vector<16xf32>
      %scan3A = arith.constant 1 : i32
      %scan3A_230 = arith.constant 63 : i32
      %scan3A_231 = arith.addi %scan3A, %scan3A_230 : i32
      %scan3A_232 = arith.constant 1 : i32
      %scan3A_233:16 = scf.for %scan3A_266 = %scan3A to %scan3A_231 step %scan3A_232 iter_args(%scan3A_267 = %masked_sort3A_151, %scan3A_268 = %masked_sort3A_155, %scan3A_269 = %masked_sort3A_161, %scan3A_270 = %masked_sort3A_165, %scan3A_271 = %masked_sort3A_175, %scan3A_272 = %masked_sort3A_179, %scan3A_273 = %masked_sort3A_185, %scan3A_274 = %masked_sort3A_189, %scan3A_275 = %rev3A_194, %scan3A_276 = %rev3A_199, %scan3A_277 = %rev3A_204, %scan3A_278 = %rev3A_209, %scan3A_279 = %rev3A_214, %scan3A_280 = %rev3A_219, %scan3A_281 = %rev3A_224, %scan3A_282 = %rev3A_229) -> (vector<16xf32>, vector<16xf32>, vector<16xf32>, vector<16xf32>, vector<16xf32>, vector<16xf32>, vector<16xf32>, vector<16xf32>, vector<16xf32>, vector<16xf32>, vector<16xf32>, vector<16xf32>, vector<16xf32>, vector<16xf32>, vector<16xf32>, vector<16xf32>)  : i32 {
        %mul3A_283 = arith.constant 128 : i32
        %mul3A_284 = arith.muli %scan3A_266, %mul3A_283 : i32
        %add3A_285 = arith.constant 0 : i32
        %add3A_286 = arith.addi %mul3A_284, %add3A_285 : i32
        %get3A_287 = arith.index_cast %add3A_286 : i32 to index
        %get3A_288 = tpu.vector_load %arg4[%get3A_287] {strides = array<i32>} : memref<8192xf32, #tpu.memory_space<vmem>>, vector<16xf32>,
        %add3A_289 = arith.constant 16 : i32
        %add3A_290 = arith.addi %mul3A_284, %add3A_289 : i32
        %get3A_291 = arith.index_cast %add3A_290 : i32 to index
        %get3A_292 = tpu.vector_load %arg4[%get3A_291] {strides = array<i32>} : memref<8192xf32, #tpu.memory_space<vmem>>, vector<16xf32>,
        %add3A_293 = arith.constant 32 : i32
        %add3A_294 = arith.addi %mul3A_284, %add3A_293 : i32
        %get3A_295 = arith.index_cast %add3A_294 : i32 to index
        %get3A_296 = tpu.vector_load %arg4[%get3A_295] {strides = array<i32>} : memref<8192xf32, #tpu.memory_space<vmem>>, vector<16xf32>,
        %add3A_297 = arith.constant 48 : i32
        %add3A_298 = arith.addi %mul3A_284, %add3A_297 : i32
        %get3A_299 = arith.index_cast %add3A_298 : i32 to index
        %get3A_300 = tpu.vector_load %arg4[%get3A_299] {strides = array<i32>} : memref<8192xf32, #tpu.memory_space<vmem>>, vector<16xf32>,
        %add3A_301 = arith.constant 64 : i32
        %add3A_302 = arith.addi %mul3A_284, %add3A_301 : i32
        %get3A_303 = arith.index_cast %add3A_302 : i32 to index
        %get3A_304 = tpu.vector_load %arg4[%get3A_303] {strides = array<i32>} : memref<8192xf32, #tpu.memory_space<vmem>>, vector<16xf32>,
        %add3A_305 = arith.constant 80 : i32
        %add3A_306 = arith.addi %mul3A_284, %add3A_305 : i32
        %get3A_307 = arith.index_cast %add3A_306 : i32 to index
        %get3A_308 = tpu.vector_load %arg4[%get3A_307] {strides = array<i32>} : memref<8192xf32, #tpu.memory_space<vmem>>, vector<16xf32>,
        %add3A_309 = arith.constant 96 : i32
        %add3A_310 = arith.addi %mul3A_284, %add3A_309 : i32
        %get3A_311 = arith.index_cast %add3A_310 : i32 to index
        %get3A_312 = tpu.vector_load %arg4[%get3A_311] {strides = array<i32>} : memref<8192xf32, #tpu.memory_space<vmem>>, vector<16xf32>,
        %add3A_313 = arith.constant 112 : i32
        %add3A_314 = arith.addi %mul3A_284, %add3A_313 : i32
        %get3A_315 = arith.index_cast %add3A_314 : i32 to index
        %get3A_316 = tpu.vector_load %arg4[%get3A_315] {strides = array<i32>} : memref<8192xf32, #tpu.memory_space<vmem>>, vector<16xf32>,
        %masked_sort3A_317 = arith.constant dense<true> : vector<16xi1>
        %masked_sort3A_318, %masked_sort3A_319, %masked_sort3A_320 = tpu.sort %get3A_288, %get3A_288 masked %masked_sort3A_317 {descending = true} : (vector<16xf32>, vector<16xf32>, vector<16xi1>) -> (vector<16xi1>, vector<16xf32>, vector<16xf32>)
        %masked_sort3A_321 = arith.constant dense<true> : vector<16xi1>
        %masked_sort3A_322, %masked_sort3A_323, %masked_sort3A_324 = tpu.sort %get3A_292, %get3A_292 masked %masked_sort3A_321 : (vector<16xf32>, vector<16xf32>, vector<16xi1>) -> (vector<16xi1>, vector<16xf32>, vector<16xf32>)
        %max3A_325 = arith.maximumf %masked_sort3A_319, %masked_sort3A_323 : vector<16xf32>
        %min3A_326 = arith.minimumf %masked_sort3A_319, %masked_sort3A_323 : vector<16xf32>
        %masked_sort3A_327 = arith.constant dense<true> : vector<16xi1>
        %masked_sort3A_328, %masked_sort3A_329, %masked_sort3A_330 = tpu.sort %max3A_325, %max3A_325 masked %masked_sort3A_327 {descending = true} : (vector<16xf32>, vector<16xf32>, vector<16xi1>) -> (vector<16xi1>, vector<16xf32>, vector<16xf32>)
        %masked_sort3A_331 = arith.constant dense<true> : vector<16xi1>
        %masked_sort3A_332, %masked_sort3A_333, %masked_sort3A_334 = tpu.sort %min3A_326, %min3A_326 masked %masked_sort3A_331 {descending = true} : (vector<16xf32>, vector<16xf32>, vector<16xi1>) -> (vector<16xi1>, vector<16xf32>, vector<16xf32>)
        %masked_sort3A_335 = arith.constant dense<true> : vector<16xi1>
        %masked_sort3A_336, %masked_sort3A_337, %masked_sort3A_338 = tpu.sort %get3A_296, %get3A_296 masked %masked_sort3A_335 {descending = true} : (vector<16xf32>, vector<16xf32>, vector<16xi1>) -> (vector<16xi1>, vector<16xf32>, vector<16xf32>)
        %masked_sort3A_339 = arith.constant dense<true> : vector<16xi1>
        %masked_sort3A_340, %masked_sort3A_341, %masked_sort3A_342 = tpu.sort %get3A_300, %get3A_300 masked %masked_sort3A_339 : (vector<16xf32>, vector<16xf32>, vector<16xi1>) -> (vector<16xi1>, vector<16xf32>, vector<16xf32>)
        %max3A_343 = arith.maximumf %masked_sort3A_337, %masked_sort3A_341 : vector<16xf32>
        %min3A_344 = arith.minimumf %masked_sort3A_337, %masked_sort3A_341 : vector<16xf32>
        %masked_sort3A_345 = arith.constant dense<true> : vector<16xi1>
        %masked_sort3A_346, %masked_sort3A_347, %masked_sort3A_348 = tpu.sort %min3A_344, %min3A_344 masked %masked_sort3A_345 : (vector<16xf32>, vector<16xf32>, vector<16xi1>) -> (vector<16xi1>, vector<16xf32>, vector<16xf32>)
        %masked_sort3A_349 = arith.constant dense<true> : vector<16xi1>
        %masked_sort3A_350, %masked_sort3A_351, %masked_sort3A_352 = tpu.sort %max3A_343, %max3A_343 masked %masked_sort3A_349 : (vector<16xf32>, vector<16xf32>, vector<16xi1>) -> (vector<16xi1>, vector<16xf32>, vector<16xf32>)
        %max3A_353 = arith.maximumf %masked_sort3A_329, %masked_sort3A_347 : vector<16xf32>
        %max3A_354 = arith.maximumf %masked_sort3A_333, %masked_sort3A_351 : vector<16xf32>
        %min3A_355 = arith.minimumf %masked_sort3A_329, %masked_sort3A_347 : vector<16xf32>
        %min3A_356 = arith.minimumf %masked_sort3A_333, %masked_sort3A_351 : vector<16xf32>
        %max3A_357 = arith.maximumf %max3A_353, %max3A_354 : vector<16xf32>
        %min3A_358 = arith.minimumf %max3A_353, %max3A_354 : vector<16xf32>
        %masked_sort3A_359 = arith.constant dense<true> : vector<16xi1>
        %masked_sort3A_360, %masked_sort3A_361, %masked_sort3A_362 = tpu.sort %max3A_357, %max3A_357 masked %masked_sort3A_359 {descending = true} : (vector<16xf32>, vector<16xf32>, vector<16xi1>) -> (vector<16xi1>, vector<16xf32>, vector<16xf32>)
        %masked_sort3A_363 = arith.constant dense<true> : vector<16xi1>
        %masked_sort3A_364, %masked_sort3A_365, %masked_sort3A_366 = tpu.sort %min3A_358, %min3A_358 masked %masked_sort3A_363 {descending = true} : (vector<16xf32>, vector<16xf32>, vector<16xi1>) -> (vector<16xi1>, vector<16xf32>, vector<16xf32>)
        %max3A_367 = arith.maximumf %min3A_355, %min3A_356 : vector<16xf32>
        %min3A_368 = arith.minimumf %min3A_355, %min3A_356 : vector<16xf32>
        %masked_sort3A_369 = arith.constant dense<true> : vector<16xi1>
        %masked_sort3A_370, %masked_sort3A_371, %masked_sort3A_372 = tpu.sort %max3A_367, %max3A_367 masked %masked_sort3A_369 {descending = true} : (vector<16xf32>, vector<16xf32>, vector<16xi1>) -> (vector<16xi1>, vector<16xf32>, vector<16xf32>)
        %masked_sort3A_373 = arith.constant dense<true> : vector<16xi1>
        %masked_sort3A_374, %masked_sort3A_375, %masked_sort3A_376 = tpu.sort %min3A_368, %min3A_368 masked %masked_sort3A_373 {descending = true} : (vector<16xf32>, vector<16xf32>, vector<16xi1>) -> (vector<16xi1>, vector<16xf32>, vector<16xf32>)
        %masked_sort3A_377 = arith.constant dense<true> : vector<16xi1>
        %masked_sort3A_378, %masked_sort3A_379, %masked_sort3A_380 = tpu.sort %get3A_304, %get3A_304 masked %masked_sort3A_377 {descending = true} : (vector<16xf32>, vector<16xf32>, vector<16xi1>) -> (vector<16xi1>, vector<16xf32>, vector<16xf32>)
        %masked_sort3A_381 = arith.constant dense<true> : vector<16xi1>
        %masked_sort3A_382, %masked_sort3A_383, %masked_sort3A_384 = tpu.sort %get3A_308, %get3A_308 masked %masked_sort3A_381 : (vector<16xf32>, vector<16xf32>, vector<16xi1>) -> (vector<16xi1>, vector<16xf32>, vector<16xf32>)
        %max3A_385 = arith.maximumf %masked_sort3A_379, %masked_sort3A_383 : vector<16xf32>
        %min3A_386 = arith.minimumf %masked_sort3A_379, %masked_sort3A_383 : vector<16xf32>
        %masked_sort3A_387 = arith.constant dense<true> : vector<16xi1>
        %masked_sort3A_388, %masked_sort3A_389, %masked_sort3A_390 = tpu.sort %max3A_385, %max3A_385 masked %masked_sort3A_387 {descending = true} : (vector<16xf32>, vector<16xf32>, vector<16xi1>) -> (vector<16xi1>, vector<16xf32>, vector<16xf32>)
        %masked_sort3A_391 = arith.constant dense<true> : vector<16xi1>
        %masked_sort3A_392, %masked_sort3A_393, %masked_sort3A_394 = tpu.sort %min3A_386, %min3A_386 masked %masked_sort3A_391 {descending = true} : (vector<16xf32>, vector<16xf32>, vector<16xi1>) -> (vector<16xi1>, vector<16xf32>, vector<16xf32>)
        %masked_sort3A_395 = arith.constant dense<true> : vector<16xi1>
        %masked_sort3A_396, %masked_sort3A_397, %masked_sort3A_398 = tpu.sort %get3A_312, %get3A_312 masked %masked_sort3A_395 {descending = true} : (vector<16xf32>, vector<16xf32>, vector<16xi1>) -> (vector<16xi1>, vector<16xf32>, vector<16xf32>)
        %masked_sort3A_399 = arith.constant dense<true> : vector<16xi1>
        %masked_sort3A_400, %masked_sort3A_401, %masked_sort3A_402 = tpu.sort %get3A_316, %get3A_316 masked %masked_sort3A_399 : (vector<16xf32>, vector<16xf32>, vector<16xi1>) -> (vector<16xi1>, vector<16xf32>, vector<16xf32>)
        %max3A_403 = arith.maximumf %masked_sort3A_397, %masked_sort3A_401 : vector<16xf32>
        %min3A_404 = arith.minimumf %masked_sort3A_397, %masked_sort3A_401 : vector<16xf32>
        %masked_sort3A_405 = arith.constant dense<true> : vector<16xi1>
        %masked_sort3A_406, %masked_sort3A_407, %masked_sort3A_408 = tpu.sort %min3A_404, %min3A_404 masked %masked_sort3A_405 : (vector<16xf32>, vector<16xf32>, vector<16xi1>) -> (vector<16xi1>, vector<16xf32>, vector<16xf32>)
        %masked_sort3A_409 = arith.constant dense<true> : vector<16xi1>
        %masked_sort3A_410, %masked_sort3A_411, %masked_sort3A_412 = tpu.sort %max3A_403, %max3A_403 masked %masked_sort3A_409 : (vector<16xf32>, vector<16xf32>, vector<16xi1>) -> (vector<16xi1>, vector<16xf32>, vector<16xf32>)
        %max3A_413 = arith.maximumf %masked_sort3A_389, %masked_sort3A_407 : vector<16xf32>
        %max3A_414 = arith.maximumf %masked_sort3A_393, %masked_sort3A_411 : vector<16xf32>
        %min3A_415 = arith.minimumf %masked_sort3A_389, %masked_sort3A_407 : vector<16xf32>
        %min3A_416 = arith.minimumf %masked_sort3A_393, %masked_sort3A_411 : vector<16xf32>
        %max3A_417 = arith.maximumf %min3A_415, %min3A_416 : vector<16xf32>
        %min3A_418 = arith.minimumf %min3A_415, %min3A_416 : vector<16xf32>
        %masked_sort3A_419 = arith.constant dense<true> : vector<16xi1>
        %masked_sort3A_420, %masked_sort3A_421, %masked_sort3A_422 = tpu.sort %min3A_418, %min3A_418 masked %masked_sort3A_419 : (vector<16xf32>, vector<16xf32>, vector<16xi1>) -> (vector<16xi1>, vector<16xf32>, vector<16xf32>)
        %masked_sort3A_423 = arith.constant dense<true> : vector<16xi1>
        %masked_sort3A_424, %masked_sort3A_425, %masked_sort3A_426 = tpu.sort %max3A_417, %max3A_417 masked %masked_sort3A_423 : (vector<16xf32>, vector<16xf32>, vector<16xi1>) -> (vector<16xi1>, vector<16xf32>, vector<16xf32>)
        %max3A_427 = arith.maximumf %max3A_413, %max3A_414 : vector<16xf32>
        %min3A_428 = arith.minimumf %max3A_413, %max3A_414 : vector<16xf32>
        %masked_sort3A_429 = arith.constant dense<true> : vector<16xi1>
        %masked_sort3A_430, %masked_sort3A_431, %masked_sort3A_432 = tpu.sort %min3A_428, %min3A_428 masked %masked_sort3A_429 : (vector<16xf32>, vector<16xf32>, vector<16xi1>) -> (vector<16xi1>, vector<16xf32>, vector<16xf32>)
        %masked_sort3A_433 = arith.constant dense<true> : vector<16xi1>
        %masked_sort3A_434, %masked_sort3A_435, %masked_sort3A_436 = tpu.sort %max3A_427, %max3A_427 masked %masked_sort3A_433 : (vector<16xf32>, vector<16xf32>, vector<16xi1>) -> (vector<16xi1>, vector<16xf32>, vector<16xf32>)
        %max3A_437 = arith.maximumf %masked_sort3A_361, %masked_sort3A_421 : vector<16xf32>
        %max3A_438 = arith.maximumf %masked_sort3A_365, %masked_sort3A_425 : vector<16xf32>
        %max3A_439 = arith.maximumf %masked_sort3A_371, %masked_sort3A_431 : vector<16xf32>
        %max3A_440 = arith.maximumf %masked_sort3A_375, %masked_sort3A_435 : vector<16xf32>
        %min3A_441 = arith.minimumf %masked_sort3A_361, %masked_sort3A_421 : vector<16xf32>
        %min3A_442 = arith.minimumf %masked_sort3A_365, %masked_sort3A_425 : vector<16xf32>
        %min3A_443 = arith.minimumf %masked_sort3A_371, %masked_sort3A_431 : vector<16xf32>
        %min3A_444 = arith.minimumf %masked_sort3A_375, %masked_sort3A_435 : vector<16xf32>
        %max3A_445 = arith.maximumf %min3A_441, %min3A_443 : vector<16xf32>
        %max3A_446 = arith.maximumf %min3A_442, %min3A_444 : vector<16xf32>
        %min3A_447 = arith.minimumf %min3A_441, %min3A_443 : vector<16xf32>
        %min3A_448 = arith.minimumf %min3A_442, %min3A_444 : vector<16xf32>
        %max3A_449 = arith.maximumf %min3A_447, %min3A_448 : vector<16xf32>
        %min3A_450 = arith.minimumf %min3A_447, %min3A_448 : vector<16xf32>
        %masked_sort3A_451 = arith.constant dense<true> : vector<16xi1>
        %masked_sort3A_452, %masked_sort3A_453, %masked_sort3A_454 = tpu.sort %min3A_450, %min3A_450 masked %masked_sort3A_451 : (vector<16xf32>, vector<16xf32>, vector<16xi1>) -> (vector<16xi1>, vector<16xf32>, vector<16xf32>)
        %masked_sort3A_455 = arith.constant dense<true> : vector<16xi1>
        %masked_sort3A_456, %masked_sort3A_457, %masked_sort3A_458 = tpu.sort %max3A_449, %max3A_449 masked %masked_sort3A_455 : (vector<16xf32>, vector<16xf32>, vector<16xi1>) -> (vector<16xi1>, vector<16xf32>, vector<16xf32>)
        %max3A_459 = arith.maximumf %max3A_445, %max3A_446 : vector<16xf32>
        %min3A_460 = arith.minimumf %max3A_445, %max3A_446 : vector<16xf32>
        %masked_sort3A_461 = arith.constant dense<true> : vector<16xi1>
        %masked_sort3A_462, %masked_sort3A_463, %masked_sort3A_464 = tpu.sort %min3A_460, %min3A_460 masked %masked_sort3A_461 : (vector<16xf32>, vector<16xf32>, vector<16xi1>) -> (vector<16xi1>, vector<16xf32>, vector<16xf32>)
        %masked_sort3A_465 = arith.constant dense<true> : vector<16xi1>
        %masked_sort3A_466, %masked_sort3A_467, %masked_sort3A_468 = tpu.sort %max3A_459, %max3A_459 masked %masked_sort3A_465 : (vector<16xf32>, vector<16xf32>, vector<16xi1>) -> (vector<16xi1>, vector<16xf32>, vector<16xf32>)
        %max3A_469 = arith.maximumf %max3A_437, %max3A_439 : vector<16xf32>
        %max3A_470 = arith.maximumf %max3A_438, %max3A_440 : vector<16xf32>
        %min3A_471 = arith.minimumf %max3A_437, %max3A_439 : vector<16xf32>
        %min3A_472 = arith.minimumf %max3A_438, %max3A_440 : vector<16xf32>
        %max3A_473 = arith.maximumf %min3A_471, %min3A_472 : vector<16xf32>
        %min3A_474 = arith.minimumf %min3A_471, %min3A_472 : vector<16xf32>
        %masked_sort3A_475 = arith.constant dense<true> : vector<16xi1>
        %masked_sort3A_476, %masked_sort3A_477, %masked_sort3A_478 = tpu.sort %min3A_474, %min3A_474 masked %masked_sort3A_475 : (vector<16xf32>, vector<16xf32>, vector<16xi1>) -> (vector<16xi1>, vector<16xf32>, vector<16xf32>)
        %masked_sort3A_479 = arith.constant dense<true> : vector<16xi1>
        %masked_sort3A_480, %masked_sort3A_481, %masked_sort3A_482 = tpu.sort %max3A_473, %max3A_473 masked %masked_sort3A_479 : (vector<16xf32>, vector<16xf32>, vector<16xi1>) -> (vector<16xi1>, vector<16xf32>, vector<16xf32>)
        %max3A_483 = arith.maximumf %max3A_469, %max3A_470 : vector<16xf32>
        %min3A_484 = arith.minimumf %max3A_469, %max3A_470 : vector<16xf32>
        %masked_sort3A_485 = arith.constant dense<true> : vector<16xi1>
        %masked_sort3A_486, %masked_sort3A_487, %masked_sort3A_488 = tpu.sort %min3A_484, %min3A_484 masked %masked_sort3A_485 : (vector<16xf32>, vector<16xf32>, vector<16xi1>) -> (vector<16xi1>, vector<16xf32>, vector<16xf32>)
        %masked_sort3A_489 = arith.constant dense<true> : vector<16xi1>
        %masked_sort3A_490, %masked_sort3A_491, %masked_sort3A_492 = tpu.sort %max3A_483, %max3A_483 masked %masked_sort3A_489 : (vector<16xf32>, vector<16xf32>, vector<16xi1>) -> (vector<16xi1>, vector<16xf32>, vector<16xf32>)
        %rev3A_493 = arith.constant 15 : i32
        %rev3A_494 = vector.broadcast %rev3A_493 : i32 to vector<16xi32>
        %rev3A_495 = tpu.iota {dimensions = array<i32: 0>} : vector<16xi32>
        %rev3A_496 = arith.subi %rev3A_494, %rev3A_495 : vector<16xi32>
        %rev3A_497 = tpu.dynamic_gather %masked_sort3A_491[%rev3A_496] in [0] : vector<16xf32>, vector<16xi32> -> vector<16xf32>
        %rev3A_498 = arith.constant 15 : i32
        %rev3A_499 = vector.broadcast %rev3A_498 : i32 to vector<16xi32>
        %rev3A_500 = tpu.iota {dimensions = array<i32: 0>} : vector<16xi32>
        %rev3A_501 = arith.subi %rev3A_499, %rev3A_500 : vector<16xi32>
        %rev3A_502 = tpu.dynamic_gather %masked_sort3A_487[%rev3A_501] in [0] : vector<16xf32>, vector<16xi32> -> vector<16xf32>
        %rev3A_503 = arith.constant 15 : i32
        %rev3A_504 = vector.broadcast %rev3A_503 : i32 to vector<16xi32>
        %rev3A_505 = tpu.iota {dimensions = array<i32: 0>} : vector<16xi32>
        %rev3A_506 = arith.subi %rev3A_504, %rev3A_505 : vector<16xi32>
        %rev3A_507 = tpu.dynamic_gather %masked_sort3A_481[%rev3A_506] in [0] : vector<16xf32>, vector<16xi32> -> vector<16xf32>
        %rev3A_508 = arith.constant 15 : i32
        %rev3A_509 = vector.broadcast %rev3A_508 : i32 to vector<16xi32>
        %rev3A_510 = tpu.iota {dimensions = array<i32: 0>} : vector<16xi32>
        %rev3A_511 = arith.subi %rev3A_509, %rev3A_510 : vector<16xi32>
        %rev3A_512 = tpu.dynamic_gather %masked_sort3A_477[%rev3A_511] in [0] : vector<16xf32>, vector<16xi32> -> vector<16xf32>
        %rev3A_513 = arith.constant 15 : i32
        %rev3A_514 = vector.broadcast %rev3A_513 : i32 to vector<16xi32>
        %rev3A_515 = tpu.iota {dimensions = array<i32: 0>} : vector<16xi32>
        %rev3A_516 = arith.subi %rev3A_514, %rev3A_515 : vector<16xi32>
        %rev3A_517 = tpu.dynamic_gather %masked_sort3A_467[%rev3A_516] in [0] : vector<16xf32>, vector<16xi32> -> vector<16xf32>
        %rev3A_518 = arith.constant 15 : i32
        %rev3A_519 = vector.broadcast %rev3A_518 : i32 to vector<16xi32>
        %rev3A_520 = tpu.iota {dimensions = array<i32: 0>} : vector<16xi32>
        %rev3A_521 = arith.subi %rev3A_519, %rev3A_520 : vector<16xi32>
        %rev3A_522 = tpu.dynamic_gather %masked_sort3A_463[%rev3A_521] in [0] : vector<16xf32>, vector<16xi32> -> vector<16xf32>
        %rev3A_523 = arith.constant 15 : i32
        %rev3A_524 = vector.broadcast %rev3A_523 : i32 to vector<16xi32>
        %rev3A_525 = tpu.iota {dimensions = array<i32: 0>} : vector<16xi32>
        %rev3A_526 = arith.subi %rev3A_524, %rev3A_525 : vector<16xi32>
        %rev3A_527 = tpu.dynamic_gather %masked_sort3A_457[%rev3A_526] in [0] : vector<16xf32>, vector<16xi32> -> vector<16xf32>
        %rev3A_528 = arith.constant 15 : i32
        %rev3A_529 = vector.broadcast %rev3A_528 : i32 to vector<16xi32>
        %rev3A_530 = tpu.iota {dimensions = array<i32: 0>} : vector<16xi32>
        %rev3A_531 = arith.subi %rev3A_529, %rev3A_530 : vector<16xi32>
        %rev3A_532 = tpu.dynamic_gather %masked_sort3A_453[%rev3A_531] in [0] : vector<16xf32>, vector<16xi32> -> vector<16xf32>
        %max3A_533 = arith.maximumf %scan3A_267, %masked_sort3A_453 : vector<16xf32>
        %max3A_534 = arith.maximumf %scan3A_268, %masked_sort3A_457 : vector<16xf32>
        %max3A_535 = arith.maximumf %scan3A_269, %masked_sort3A_463 : vector<16xf32>
        %max3A_536 = arith.maximumf %scan3A_270, %masked_sort3A_467 : vector<16xf32>
        %max3A_537 = arith.maximumf %scan3A_271, %masked_sort3A_477 : vector<16xf32>
        %max3A_538 = arith.maximumf %scan3A_272, %masked_sort3A_481 : vector<16xf32>
        %max3A_539 = arith.maximumf %scan3A_273, %masked_sort3A_487 : vector<16xf32>
        %max3A_540 = arith.maximumf %scan3A_274, %masked_sort3A_491 : vector<16xf32>
        %max3A_541 = arith.maximumf %max3A_533, %max3A_537 : vector<16xf32>
        %max3A_542 = arith.maximumf %max3A_534, %max3A_538 : vector<16xf32>
        %max3A_543 = arith.maximumf %max3A_535, %max3A_539 : vector<16xf32>
        %max3A_544 = arith.maximumf %max3A_536, %max3A_540 : vector<16xf32>
        %min3A_545 = arith.minimumf %max3A_533, %max3A_537 : vector<16xf32>
        %min3A_546 = arith.minimumf %max3A_534, %max3A_538 : vector<16xf32>
        %min3A_547 = arith.minimumf %max3A_535, %max3A_539 : vector<16xf32>
        %min3A_548 = arith.minimumf %max3A_536, %max3A_540 : vector<16xf32>
        %max3A_549 = arith.maximumf %max3A_541, %max3A_543 : vector<16xf32>
        %max3A_550 = arith.maximumf %max3A_542, %max3A_544 : vector<16xf32>
        %min3A_551 = arith.minimumf %max3A_541, %max3A_543 : vector<16xf32>
        %min3A_552 = arith.minimumf %max3A_542, %max3A_544 : vector<16xf32>
        %max3A_553 = arith.maximumf %max3A_549, %max3A_550 : vector<16xf32>
        %min3A_554 = arith.minimumf %max3A_549, %max3A_550 : vector<16xf32>
        %masked_sort3A_555 = arith.constant dense<true> : vector<16xi1>
        %masked_sort3A_556, %masked_sort3A_557, %masked_sort3A_558 = tpu.sort %max3A_553, %max3A_553 masked %masked_sort3A_555 {descending = true} : (vector<16xf32>, vector<16xf32>, vector<16xi1>) -> (vector<16xi1>, vector<16xf32>, vector<16xf32>)
        %masked_sort3A_559 = arith.constant dense<true> : vector<16xi1>
        %masked_sort3A_560, %masked_sort3A_561, %masked_sort3A_562 = tpu.sort %min3A_554, %min3A_554 masked %masked_sort3A_559 {descending = true} : (vector<16xf32>, vector<16xf32>, vector<16xi1>) -> (vector<16xi1>, vector<16xf32>, vector<16xf32>)
        %max3A_563 = arith.maximumf %min3A_551, %min3A_552 : vector<16xf32>
        %min3A_564 = arith.minimumf %min3A_551, %min3A_552 : vector<16xf32>
        %masked_sort3A_565 = arith.constant dense<true> : vector<16xi1>
        %masked_sort3A_566, %masked_sort3A_567, %masked_sort3A_568 = tpu.sort %max3A_563, %max3A_563 masked %masked_sort3A_565 {descending = true} : (vector<16xf32>, vector<16xf32>, vector<16xi1>) -> (vector<16xi1>, vector<16xf32>, vector<16xf32>)
        %masked_sort3A_569 = arith.constant dense<true> : vector<16xi1>
        %masked_sort3A_570, %masked_sort3A_571, %masked_sort3A_572 = tpu.sort %min3A_564, %min3A_564 masked %masked_sort3A_569 {descending = true} : (vector<16xf32>, vector<16xf32>, vector<16xi1>) -> (vector<16xi1>, vector<16xf32>, vector<16xf32>)
        %max3A_573 = arith.maximumf %min3A_545, %min3A_547 : vector<16xf32>
        %max3A_574 = arith.maximumf %min3A_546, %min3A_548 : vector<16xf32>
        %min3A_575 = arith.minimumf %min3A_545, %min3A_547 : vector<16xf32>
        %min3A_576 = arith.minimumf %min3A_546, %min3A_548 : vector<16xf32>
        %max3A_577 = arith.maximumf %max3A_573, %max3A_574 : vector<16xf32>
        %min3A_578 = arith.minimumf %max3A_573, %max3A_574 : vector<16xf32>
        %masked_sort3A_579 = arith.constant dense<true> : vector<16xi1>
        %masked_sort3A_580, %masked_sort3A_581, %masked_sort3A_582 = tpu.sort %max3A_577, %max3A_577 masked %masked_sort3A_579 {descending = true} : (vector<16xf32>, vector<16xf32>, vector<16xi1>) -> (vector<16xi1>, vector<16xf32>, vector<16xf32>)
        %masked_sort3A_583 = arith.constant dense<true> : vector<16xi1>
        %masked_sort3A_584, %masked_sort3A_585, %masked_sort3A_586 = tpu.sort %min3A_578, %min3A_578 masked %masked_sort3A_583 {descending = true} : (vector<16xf32>, vector<16xf32>, vector<16xi1>) -> (vector<16xi1>, vector<16xf32>, vector<16xf32>)
        %max3A_587 = arith.maximumf %min3A_575, %min3A_576 : vector<16xf32>
        %min3A_588 = arith.minimumf %min3A_575, %min3A_576 : vector<16xf32>
        %masked_sort3A_589 = arith.constant dense<true> : vector<16xi1>
        %masked_sort3A_590, %masked_sort3A_591, %masked_sort3A_592 = tpu.sort %max3A_587, %max3A_587 masked %masked_sort3A_589 {descending = true} : (vector<16xf32>, vector<16xf32>, vector<16xi1>) -> (vector<16xi1>, vector<16xf32>, vector<16xf32>)
        %masked_sort3A_593 = arith.constant dense<true> : vector<16xi1>
        %masked_sort3A_594, %masked_sort3A_595, %masked_sort3A_596 = tpu.sort %min3A_588, %min3A_588 masked %masked_sort3A_593 {descending = true} : (vector<16xf32>, vector<16xf32>, vector<16xi1>) -> (vector<16xi1>, vector<16xf32>, vector<16xf32>)
        %min3A_597 = arith.minimumf %scan3A_275, %rev3A_497 : vector<16xf32>
        %min3A_598 = arith.minimumf %scan3A_276, %rev3A_502 : vector<16xf32>
        %min3A_599 = arith.minimumf %scan3A_277, %rev3A_507 : vector<16xf32>
        %min3A_600 = arith.minimumf %scan3A_278, %rev3A_512 : vector<16xf32>
        %min3A_601 = arith.minimumf %scan3A_279, %rev3A_517 : vector<16xf32>
        %min3A_602 = arith.minimumf %scan3A_280, %rev3A_522 : vector<16xf32>
        %min3A_603 = arith.minimumf %scan3A_281, %rev3A_527 : vector<16xf32>
        %min3A_604 = arith.minimumf %scan3A_282, %rev3A_532 : vector<16xf32>
        %max3A_605 = arith.maximumf %min3A_597, %min3A_601 : vector<16xf32>
        %max3A_606 = arith.maximumf %min3A_598, %min3A_602 : vector<16xf32>
        %max3A_607 = arith.maximumf %min3A_599, %min3A_603 : vector<16xf32>
        %max3A_608 = arith.maximumf %min3A_600, %min3A_604 : vector<16xf32>
        %min3A_609 = arith.minimumf %min3A_597, %min3A_601 : vector<16xf32>
        %min3A_610 = arith.minimumf %min3A_598, %min3A_602 : vector<16xf32>
        %min3A_611 = arith.minimumf %min3A_599, %min3A_603 : vector<16xf32>
        %min3A_612 = arith.minimumf %min3A_600, %min3A_604 : vector<16xf32>
        %max3A_613 = arith.maximumf %min3A_609, %min3A_611 : vector<16xf32>
        %max3A_614 = arith.maximumf %min3A_610, %min3A_612 : vector<16xf32>
        %min3A_615 = arith.minimumf %min3A_609, %min3A_611 : vector<16xf32>
        %min3A_616 = arith.minimumf %min3A_610, %min3A_612 : vector<16xf32>
        %max3A_617 = arith.maximumf %min3A_615, %min3A_616 : vector<16xf32>
        %min3A_618 = arith.minimumf %min3A_615, %min3A_616 : vector<16xf32>
        %masked_sort3A_619 = arith.constant dense<true> : vector<16xi1>
        %masked_sort3A_620, %masked_sort3A_621, %masked_sort3A_622 = tpu.sort %min3A_618, %min3A_618 masked %masked_sort3A_619 : (vector<16xf32>, vector<16xf32>, vector<16xi1>) -> (vector<16xi1>, vector<16xf32>, vector<16xf32>)
        %masked_sort3A_623 = arith.constant dense<true> : vector<16xi1>
        %masked_sort3A_624, %masked_sort3A_625, %masked_sort3A_626 = tpu.sort %max3A_617, %max3A_617 masked %masked_sort3A_623 : (vector<16xf32>, vector<16xf32>, vector<16xi1>) -> (vector<16xi1>, vector<16xf32>, vector<16xf32>)
        %max3A_627 = arith.maximumf %max3A_613, %max3A_614 : vector<16xf32>
        %min3A_628 = arith.minimumf %max3A_613, %max3A_614 : vector<16xf32>
        %masked_sort3A_629 = arith.constant dense<true> : vector<16xi1>
        %masked_sort3A_630, %masked_sort3A_631, %masked_sort3A_632 = tpu.sort %min3A_628, %min3A_628 masked %masked_sort3A_629 : (vector<16xf32>, vector<16xf32>, vector<16xi1>) -> (vector<16xi1>, vector<16xf32>, vector<16xf32>)
        %masked_sort3A_633 = arith.constant dense<true> : vector<16xi1>
        %masked_sort3A_634, %masked_sort3A_635, %masked_sort3A_636 = tpu.sort %max3A_627, %max3A_627 masked %masked_sort3A_633 : (vector<16xf32>, vector<16xf32>, vector<16xi1>) -> (vector<16xi1>, vector<16xf32>, vector<16xf32>)
        %max3A_637 = arith.maximumf %max3A_605, %max3A_607 : vector<16xf32>
        %max3A_638 = arith.maximumf %max3A_606, %max3A_608 : vector<16xf32>
        %min3A_639 = arith.minimumf %max3A_605, %max3A_607 : vector<16xf32>
        %min3A_640 = arith.minimumf %max3A_606, %max3A_608 : vector<16xf32>
        %max3A_641 = arith.maximumf %min3A_639, %min3A_640 : vector<16xf32>
        %min3A_642 = arith.minimumf %min3A_639, %min3A_640 : vector<16xf32>
        %masked_sort3A_643 = arith.constant dense<true> : vector<16xi1>
        %masked_sort3A_644, %masked_sort3A_645, %masked_sort3A_646 = tpu.sort %min3A_642, %min3A_642 masked %masked_sort3A_643 : (vector<16xf32>, vector<16xf32>, vector<16xi1>) -> (vector<16xi1>, vector<16xf32>, vector<16xf32>)
        %masked_sort3A_647 = arith.constant dense<true> : vector<16xi1>
        %masked_sort3A_648, %masked_sort3A_649, %masked_sort3A_650 = tpu.sort %max3A_641, %max3A_641 masked %masked_sort3A_647 : (vector<16xf32>, vector<16xf32>, vector<16xi1>) -> (vector<16xi1>, vector<16xf32>, vector<16xf32>)
        %max3A_651 = arith.maximumf %max3A_637, %max3A_638 : vector<16xf32>
        %min3A_652 = arith.minimumf %max3A_637, %max3A_638 : vector<16xf32>
        %masked_sort3A_653 = arith.constant dense<true> : vector<16xi1>
        %masked_sort3A_654, %masked_sort3A_655, %masked_sort3A_656 = tpu.sort %min3A_652, %min3A_652 masked %masked_sort3A_653 : (vector<16xf32>, vector<16xf32>, vector<16xi1>) -> (vector<16xi1>, vector<16xf32>, vector<16xf32>)
        %masked_sort3A_657 = arith.constant dense<true> : vector<16xi1>
        %masked_sort3A_658, %masked_sort3A_659, %masked_sort3A_660 = tpu.sort %max3A_651, %max3A_651 masked %masked_sort3A_657 : (vector<16xf32>, vector<16xf32>, vector<16xi1>) -> (vector<16xi1>, vector<16xf32>, vector<16xf32>)
        scf.yield %masked_sort3A_557, %masked_sort3A_561, %masked_sort3A_567, %masked_sort3A_571, %masked_sort3A_581, %masked_sort3A_585, %masked_sort3A_591, %masked_sort3A_595, %masked_sort3A_621, %masked_sort3A_625, %masked_sort3A_631, %masked_sort3A_635, %masked_sort3A_645, %masked_sort3A_649, %masked_sort3A_655, %masked_sort3A_659 : vector<16xf32>, vector<16xf32>, vector<16xf32>, vector<16xf32>, vector<16xf32>, vector<16xf32>, vector<16xf32>, vector<16xf32>, vector<16xf32>, vector<16xf32>, vector<16xf32>, vector<16xf32>, vector<16xf32>, vector<16xf32>, vector<16xf32>, vector<16xf32>
      }
      %scan3A_234 = arith.constant 63 : i32
      %swap3A = arith.constant 0 : index
      %swap3A_235 = tpu.vector_load %arg5[%swap3A] {strides = array<i32>} : memref<256xf32, #tpu.memory_space<vmem>>, vector<16xf32>,
      tpu.vector_store %arg5[%swap3A], %scan3A_233#0 {strides = array<i32>} : memref<256xf32, #tpu.memory_space<vmem>>, vector<16xf32>,
      %swap3A_236 = arith.constant 128 : index
      %swap3A_237 = tpu.vector_load %arg5[%swap3A_236] {strides = array<i32>} : memref<256xf32, #tpu.memory_space<vmem>>, vector<16xf32>,
      tpu.vector_store %arg5[%swap3A_236], %scan3A_233#8 {strides = array<i32>} : memref<256xf32, #tpu.memory_space<vmem>>, vector<16xf32>,
      %swap3A_238 = arith.constant 16 : index
      %swap3A_239 = tpu.vector_load %arg5[%swap3A_238] {strides = array<i32>} : memref<256xf32, #tpu.memory_space<vmem>>, vector<16xf32>,
      tpu.vector_store %arg5[%swap3A_238], %scan3A_233#1 {strides = array<i32>} : memref<256xf32, #tpu.memory_space<vmem>>, vector<16xf32>,
      %swap3A_240 = arith.constant 144 : index
      %swap3A_241 = tpu.vector_load %arg5[%swap3A_240] {strides = array<i32>} : memref<256xf32, #tpu.memory_space<vmem>>, vector<16xf32>,
      tpu.vector_store %arg5[%swap3A_240], %scan3A_233#9 {strides = array<i32>} : memref<256xf32, #tpu.memory_space<vmem>>, vector<16xf32>,
      %swap3A_242 = arith.constant 32 : index
      %swap3A_243 = tpu.vector_load %arg5[%swap3A_242] {strides = array<i32>} : memref<256xf32, #tpu.memory_space<vmem>>, vector<16xf32>,
      tpu.vector_store %arg5[%swap3A_242], %scan3A_233#2 {strides = array<i32>} : memref<256xf32, #tpu.memory_space<vmem>>, vector<16xf32>,
      %swap3A_244 = arith.constant 160 : index
      %swap3A_245 = tpu.vector_load %arg5[%swap3A_244] {strides = array<i32>} : memref<256xf32, #tpu.memory_space<vmem>>, vector<16xf32>,
      tpu.vector_store %arg5[%swap3A_244], %scan3A_233#10 {strides = array<i32>} : memref<256xf32, #tpu.memory_space<vmem>>, vector<16xf32>,
      %swap3A_246 = arith.constant 48 : index
      %swap3A_247 = tpu.vector_load %arg5[%swap3A_246] {strides = array<i32>} : memref<256xf32, #tpu.memory_space<vmem>>, vector<16xf32>,
      tpu.vector_store %arg5[%swap3A_246], %scan3A_233#3 {strides = array<i32>} : memref<256xf32, #tpu.memory_space<vmem>>, vector<16xf32>,
      %swap3A_248 = arith.constant 176 : index
      %swap3A_249 = tpu.vector_load %arg5[%swap3A_248] {strides = array<i32>} : memref<256xf32, #tpu.memory_space<vmem>>, vector<16xf32>,
      tpu.vector_store %arg5[%swap3A_248], %scan3A_233#11 {strides = array<i32>} : memref<256xf32, #tpu.memory_space<vmem>>, vector<16xf32>,
      %swap3A_250 = arith.constant 64 : index
      %swap3A_251 = tpu.vector_load %arg5[%swap3A_250] {strides = array<i32>} : memref<256xf32, #tpu.memory_space<vmem>>, vector<16xf32>,
      tpu.vector_store %arg5[%swap3A_250], %scan3A_233#4 {strides = array<i32>} : memref<256xf32, #tpu.memory_space<vmem>>, vector<16xf32>,
      %swap3A_252 = arith.constant 192 : index
      %swap3A_253 = tpu.vector_load %arg5[%swap3A_252] {strides = array<i32>} : memref<256xf32, #tpu.memory_space<vmem>>, vector<16xf32>,
      tpu.vector_store %arg5[%swap3A_252], %scan3A_233#12 {strides = array<i32>} : memref<256xf32, #tpu.memory_space<vmem>>, vector<16xf32>,
      %swap3A_254 = arith.constant 80 : index
      %swap3A_255 = tpu.vector_load %arg5[%swap3A_254] {strides = array<i32>} : memref<256xf32, #tpu.memory_space<vmem>>, vector<16xf32>,
      tpu.vector_store %arg5[%swap3A_254], %scan3A_233#5 {strides = array<i32>} : memref<256xf32, #tpu.memory_space<vmem>>, vector<16xf32>,
      %swap3A_256 = arith.constant 208 : index
      %swap3A_257 = tpu.vector_load %arg5[%swap3A_256] {strides = array<i32>} : memref<256xf32, #tpu.memory_space<vmem>>, vector<16xf32>,
      tpu.vector_store %arg5[%swap3A_256], %scan3A_233#13 {strides = array<i32>} : memref<256xf32, #tpu.memory_space<vmem>>, vector<16xf32>,
      %swap3A_258 = arith.constant 96 : index
      %swap3A_259 = tpu.vector_load %arg5[%swap3A_258] {strides = array<i32>} : memref<256xf32, #tpu.memory_space<vmem>>, vector<16xf32>,
      tpu.vector_store %arg5[%swap3A_258], %scan3A_233#6 {strides = array<i32>} : memref<256xf32, #tpu.memory_space<vmem>>, vector<16xf32>,
      %swap3A_260 = arith.constant 224 : index
      %swap3A_261 = tpu.vector_load %arg5[%swap3A_260] {strides = array<i32>} : memref<256xf32, #tpu.memory_space<vmem>>, vector<16xf32>,
      tpu.vector_store %arg5[%swap3A_260], %scan3A_233#14 {strides = array<i32>} : memref<256xf32, #tpu.memory_space<vmem>>, vector<16xf32>,
      %swap3A_262 = arith.constant 112 : index
      %swap3A_263 = tpu.vector_load %arg5[%swap3A_262] {strides = array<i32>} : memref<256xf32, #tpu.memory_space<vmem>>, vector<16xf32>,
      tpu.vector_store %arg5[%swap3A_262], %scan3A_233#7 {strides = array<i32>} : memref<256xf32, #tpu.memory_space<vmem>>, vector<16xf32>,
      %swap3A_264 = arith.constant 240 : index
      %swap3A_265 = tpu.vector_load %arg5[%swap3A_264] {strides = array<i32>} : memref<256xf32, #tpu.memory_space<vmem>>, vector<16xf32>,
      tpu.vector_store %arg5[%swap3A_264], %scan3A_233#15 {strides = array<i32>} : memref<256xf32, #tpu.memory_space<vmem>>, vector<16xf32>,
      "tpu.region"() ({
        %run_scoped3A = tpu.sem_alloc : memref<!tpu.dma_semaphore, #tpu.memory_space<semaphore_mem>>
        %dma_start3A = arith.constant 0 : i32
        %dma_start3A_266 = tpu.memref_slice %arg3[%add3A, %dma_start3A] : memref<4x256xf32, #tpu.memory_space<hbm>> -> memref<1x256xf32, #tpu.memory_space<hbm>>
        %dma_start3A_267 = tpu.memref_squeeze %dma_start3A_266 : memref<1x256xf32, #tpu.memory_space<hbm>> -> memref<256xf32, #tpu.memory_space<hbm>>
        %dma_start3A_268 = arith.constant 0 : i32
        %dma_start3A_269 = tpu.memref_slice %arg3[%add3A, %dma_start3A_268] : memref<4x256xf32, #tpu.memory_space<hbm>> -> memref<1x256xf32, #tpu.memory_space<hbm>>
        %dma_start3A_270 = tpu.memref_squeeze %dma_start3A_269 : memref<1x256xf32, #tpu.memory_space<hbm>> -> memref<256xf32, #tpu.memory_space<hbm>>
        tpu.enqueue_dma source(%arg5 : memref<256xf32, #tpu.memory_space<vmem>>) target(%dma_start3A_270 : memref<256xf32, #tpu.memory_space<hbm>>) target_semaphore(%run_scoped3A : memref<!tpu.dma_semaphore, #tpu.memory_space<semaphore_mem>>)
        %dma_wait3A = arith.constant 0 : i32
        %dma_wait3A_271 = tpu.memref_slice %arg3[%add3A, %dma_wait3A] : memref<4x256xf32, #tpu.memory_space<hbm>> -> memref<1x256xf32, #tpu.memory_space<hbm>>
        %dma_wait3A_272 = tpu.memref_squeeze %dma_wait3A_271 : memref<1x256xf32, #tpu.memory_space<hbm>> -> memref<256xf32, #tpu.memory_space<hbm>>
        %dma_wait3A_273 = arith.constant 0 : i32
        %dma_wait3A_274 = tpu.memref_slice %arg3[%add3A, %dma_wait3A_273] : memref<4x256xf32, #tpu.memory_space<hbm>> -> memref<1x256xf32, #tpu.memory_space<hbm>>
        %dma_wait3A_275 = tpu.memref_squeeze %dma_wait3A_274 : memref<1x256xf32, #tpu.memory_space<hbm>> -> memref<256xf32, #tpu.memory_space<hbm>>
        tpu.wait_dma2 semaphore(%run_scoped3A : memref<!tpu.dma_semaphore, #tpu.memory_space<semaphore_mem>>) src(%arg5 : memref<256xf32, #tpu.memory_space<vmem>>) dst(%dma_wait3A_275 : memref<256xf32, #tpu.memory_space<hbm>>)
        tpu.yield
      }) : () -> ()
    } else {
    }
    return
  }
}

module attributes {stable_mosaic.version = 14 : i64} {
  func.func @_conv_body(%arg0: i32, %arg1: memref<1024x2048xf32, #tpu.memory_space<vmem>>, %arg2: memref<1x2048xf32, #tpu.memory_space<vmem>>, %arg3: memref<1024x1xf32, #tpu.memory_space<vmem>>) attributes {dimension_semantics = [#tpu.dimension_semantics<arbitrary>], iteration_bounds = array<i64: 32>, scalar_prefetch = 0 : i64, scratch_operands = 0 : i64, tpu.core_type = #tpu.core_type<tc>, window_params = [{transform_indices = @transform_0, window_bounds = array<i64: 1024, 2048>}, {pipeline_mode = #tpu.pipeline_mode<synchronous>, transform_indices = @transform_1, window_bounds = array<i64: 1, 2048>}, {transform_indices = @transform_2, window_bounds = array<i64: 1024, 1>}]} {
    %get3A = arith.constant 0 : index
    %get3A_0 = arith.constant 0 : index
    %get3A_1 = vector.load %arg1[%get3A, %get3A_0] : memref<1024x2048xf32, #tpu.memory_space<vmem>>, vector<1024x2048xf32>
    %get3A_2 = arith.constant 0 : index
    %get3A_3 = arith.constant 0 : index
    %get3A_4 = vector.load %arg2[%get3A_2, %get3A_3] : memref<1x2048xf32, #tpu.memory_space<vmem>>, vector<1x2048xf32>
    %slice3A = vector.extract_strided_slice %get3A_1 {offsets = [0, 0], sizes = [1024, 128], strides = [1, 1]} : vector<1024x2048xf32> to vector<1024x128xf32>
    %slice3A_5 = vector.extract_strided_slice %get3A_4 {offsets = [0, 0], sizes = [1, 128], strides = [1, 1]} : vector<1x2048xf32> to vector<1x128xf32>
    %mul3A = vector.broadcast %slice3A_5 : vector<1x128xf32> to vector<1024x128xf32>
    %mul3A_6 = arith.mulf %slice3A, %mul3A : vector<1024x128xf32>
    %slice3A_7 = vector.extract_strided_slice %get3A_1 {offsets = [0, 128], sizes = [1024, 128], strides = [1, 1]} : vector<1024x2048xf32> to vector<1024x128xf32>
    %slice3A_8 = vector.extract_strided_slice %get3A_4 {offsets = [0, 128], sizes = [1, 128], strides = [1, 1]} : vector<1x2048xf32> to vector<1x128xf32>
    %mul3A_9 = vector.broadcast %slice3A_8 : vector<1x128xf32> to vector<1024x128xf32>
    %mul3A_10 = arith.mulf %slice3A_7, %mul3A_9 : vector<1024x128xf32>
    %add3A = arith.addf %mul3A_6, %mul3A_10 : vector<1024x128xf32>
    %slice3A_11 = vector.extract_strided_slice %get3A_1 {offsets = [0, 256], sizes = [1024, 128], strides = [1, 1]} : vector<1024x2048xf32> to vector<1024x128xf32>
    %slice3A_12 = vector.extract_strided_slice %get3A_4 {offsets = [0, 256], sizes = [1, 128], strides = [1, 1]} : vector<1x2048xf32> to vector<1x128xf32>
    %mul3A_13 = vector.broadcast %slice3A_12 : vector<1x128xf32> to vector<1024x128xf32>
    %mul3A_14 = arith.mulf %slice3A_11, %mul3A_13 : vector<1024x128xf32>
    %add3A_15 = arith.addf %add3A, %mul3A_14 : vector<1024x128xf32>
    %slice3A_16 = vector.extract_strided_slice %get3A_1 {offsets = [0, 384], sizes = [1024, 128], strides = [1, 1]} : vector<1024x2048xf32> to vector<1024x128xf32>
    %slice3A_17 = vector.extract_strided_slice %get3A_4 {offsets = [0, 384], sizes = [1, 128], strides = [1, 1]} : vector<1x2048xf32> to vector<1x128xf32>
    %mul3A_18 = vector.broadcast %slice3A_17 : vector<1x128xf32> to vector<1024x128xf32>
    %mul3A_19 = arith.mulf %slice3A_16, %mul3A_18 : vector<1024x128xf32>
    %add3A_20 = arith.addf %add3A_15, %mul3A_19 : vector<1024x128xf32>
    %slice3A_21 = vector.extract_strided_slice %get3A_1 {offsets = [0, 512], sizes = [1024, 128], strides = [1, 1]} : vector<1024x2048xf32> to vector<1024x128xf32>
    %slice3A_22 = vector.extract_strided_slice %get3A_4 {offsets = [0, 512], sizes = [1, 128], strides = [1, 1]} : vector<1x2048xf32> to vector<1x128xf32>
    %mul3A_23 = vector.broadcast %slice3A_22 : vector<1x128xf32> to vector<1024x128xf32>
    %mul3A_24 = arith.mulf %slice3A_21, %mul3A_23 : vector<1024x128xf32>
    %add3A_25 = arith.addf %add3A_20, %mul3A_24 : vector<1024x128xf32>
    %slice3A_26 = vector.extract_strided_slice %get3A_1 {offsets = [0, 640], sizes = [1024, 128], strides = [1, 1]} : vector<1024x2048xf32> to vector<1024x128xf32>
    %slice3A_27 = vector.extract_strided_slice %get3A_4 {offsets = [0, 640], sizes = [1, 128], strides = [1, 1]} : vector<1x2048xf32> to vector<1x128xf32>
    %mul3A_28 = vector.broadcast %slice3A_27 : vector<1x128xf32> to vector<1024x128xf32>
    %mul3A_29 = arith.mulf %slice3A_26, %mul3A_28 : vector<1024x128xf32>
    %add3A_30 = arith.addf %add3A_25, %mul3A_29 : vector<1024x128xf32>
    %slice3A_31 = vector.extract_strided_slice %get3A_1 {offsets = [0, 768], sizes = [1024, 128], strides = [1, 1]} : vector<1024x2048xf32> to vector<1024x128xf32>
    %slice3A_32 = vector.extract_strided_slice %get3A_4 {offsets = [0, 768], sizes = [1, 128], strides = [1, 1]} : vector<1x2048xf32> to vector<1x128xf32>
    %mul3A_33 = vector.broadcast %slice3A_32 : vector<1x128xf32> to vector<1024x128xf32>
    %mul3A_34 = arith.mulf %slice3A_31, %mul3A_33 : vector<1024x128xf32>
    %add3A_35 = arith.addf %add3A_30, %mul3A_34 : vector<1024x128xf32>
    %slice3A_36 = vector.extract_strided_slice %get3A_1 {offsets = [0, 896], sizes = [1024, 128], strides = [1, 1]} : vector<1024x2048xf32> to vector<1024x128xf32>
    %slice3A_37 = vector.extract_strided_slice %get3A_4 {offsets = [0, 896], sizes = [1, 128], strides = [1, 1]} : vector<1x2048xf32> to vector<1x128xf32>
    %mul3A_38 = vector.broadcast %slice3A_37 : vector<1x128xf32> to vector<1024x128xf32>
    %mul3A_39 = arith.mulf %slice3A_36, %mul3A_38 : vector<1024x128xf32>
    %add3A_40 = arith.addf %add3A_35, %mul3A_39 : vector<1024x128xf32>
    %slice3A_41 = vector.extract_strided_slice %get3A_1 {offsets = [0, 1024], sizes = [1024, 128], strides = [1, 1]} : vector<1024x2048xf32> to vector<1024x128xf32>
    %slice3A_42 = vector.extract_strided_slice %get3A_4 {offsets = [0, 1024], sizes = [1, 128], strides = [1, 1]} : vector<1x2048xf32> to vector<1x128xf32>
    %mul3A_43 = vector.broadcast %slice3A_42 : vector<1x128xf32> to vector<1024x128xf32>
    %mul3A_44 = arith.mulf %slice3A_41, %mul3A_43 : vector<1024x128xf32>
    %add3A_45 = arith.addf %add3A_40, %mul3A_44 : vector<1024x128xf32>
    %slice3A_46 = vector.extract_strided_slice %get3A_1 {offsets = [0, 1152], sizes = [1024, 128], strides = [1, 1]} : vector<1024x2048xf32> to vector<1024x128xf32>
    %slice3A_47 = vector.extract_strided_slice %get3A_4 {offsets = [0, 1152], sizes = [1, 128], strides = [1, 1]} : vector<1x2048xf32> to vector<1x128xf32>
    %mul3A_48 = vector.broadcast %slice3A_47 : vector<1x128xf32> to vector<1024x128xf32>
    %mul3A_49 = arith.mulf %slice3A_46, %mul3A_48 : vector<1024x128xf32>
    %add3A_50 = arith.addf %add3A_45, %mul3A_49 : vector<1024x128xf32>
    %slice3A_51 = vector.extract_strided_slice %get3A_1 {offsets = [0, 1280], sizes = [1024, 128], strides = [1, 1]} : vector<1024x2048xf32> to vector<1024x128xf32>
    %slice3A_52 = vector.extract_strided_slice %get3A_4 {offsets = [0, 1280], sizes = [1, 128], strides = [1, 1]} : vector<1x2048xf32> to vector<1x128xf32>
    %mul3A_53 = vector.broadcast %slice3A_52 : vector<1x128xf32> to vector<1024x128xf32>
    %mul3A_54 = arith.mulf %slice3A_51, %mul3A_53 : vector<1024x128xf32>
    %add3A_55 = arith.addf %add3A_50, %mul3A_54 : vector<1024x128xf32>
    %slice3A_56 = vector.extract_strided_slice %get3A_1 {offsets = [0, 1408], sizes = [1024, 128], strides = [1, 1]} : vector<1024x2048xf32> to vector<1024x128xf32>
    %slice3A_57 = vector.extract_strided_slice %get3A_4 {offsets = [0, 1408], sizes = [1, 128], strides = [1, 1]} : vector<1x2048xf32> to vector<1x128xf32>
    %mul3A_58 = vector.broadcast %slice3A_57 : vector<1x128xf32> to vector<1024x128xf32>
    %mul3A_59 = arith.mulf %slice3A_56, %mul3A_58 : vector<1024x128xf32>
    %add3A_60 = arith.addf %add3A_55, %mul3A_59 : vector<1024x128xf32>
    %slice3A_61 = vector.extract_strided_slice %get3A_1 {offsets = [0, 1536], sizes = [1024, 128], strides = [1, 1]} : vector<1024x2048xf32> to vector<1024x128xf32>
    %slice3A_62 = vector.extract_strided_slice %get3A_4 {offsets = [0, 1536], sizes = [1, 128], strides = [1, 1]} : vector<1x2048xf32> to vector<1x128xf32>
    %mul3A_63 = vector.broadcast %slice3A_62 : vector<1x128xf32> to vector<1024x128xf32>
    %mul3A_64 = arith.mulf %slice3A_61, %mul3A_63 : vector<1024x128xf32>
    %add3A_65 = arith.addf %add3A_60, %mul3A_64 : vector<1024x128xf32>
    %slice3A_66 = vector.extract_strided_slice %get3A_1 {offsets = [0, 1664], sizes = [1024, 128], strides = [1, 1]} : vector<1024x2048xf32> to vector<1024x128xf32>
    %slice3A_67 = vector.extract_strided_slice %get3A_4 {offsets = [0, 1664], sizes = [1, 128], strides = [1, 1]} : vector<1x2048xf32> to vector<1x128xf32>
    %mul3A_68 = vector.broadcast %slice3A_67 : vector<1x128xf32> to vector<1024x128xf32>
    %mul3A_69 = arith.mulf %slice3A_66, %mul3A_68 : vector<1024x128xf32>
    %add3A_70 = arith.addf %add3A_65, %mul3A_69 : vector<1024x128xf32>
    %slice3A_71 = vector.extract_strided_slice %get3A_1 {offsets = [0, 1792], sizes = [1024, 128], strides = [1, 1]} : vector<1024x2048xf32> to vector<1024x128xf32>
    %slice3A_72 = vector.extract_strided_slice %get3A_4 {offsets = [0, 1792], sizes = [1, 128], strides = [1, 1]} : vector<1x2048xf32> to vector<1x128xf32>
    %mul3A_73 = vector.broadcast %slice3A_72 : vector<1x128xf32> to vector<1024x128xf32>
    %mul3A_74 = arith.mulf %slice3A_71, %mul3A_73 : vector<1024x128xf32>
    %add3A_75 = arith.addf %add3A_70, %mul3A_74 : vector<1024x128xf32>
    %slice3A_76 = vector.extract_strided_slice %get3A_1 {offsets = [0, 1920], sizes = [1024, 128], strides = [1, 1]} : vector<1024x2048xf32> to vector<1024x128xf32>
    %slice3A_77 = vector.extract_strided_slice %get3A_4 {offsets = [0, 1920], sizes = [1, 128], strides = [1, 1]} : vector<1x2048xf32> to vector<1x128xf32>
    %mul3A_78 = vector.broadcast %slice3A_77 : vector<1x128xf32> to vector<1024x128xf32>
    %mul3A_79 = arith.mulf %slice3A_76, %mul3A_78 : vector<1024x128xf32>
    %add3A_80 = arith.addf %add3A_75, %mul3A_79 : vector<1024x128xf32>
    %reduce_sum3A = arith.constant dense<0.000000e+00> : vector<1024xf32>
    %reduce_sum3A_81 = vector.multi_reduction <add>, %add3A_80, %reduce_sum3A [1] : vector<1024x128xf32> to vector<1024xf32>
    %broadcast_in_dim3A = vector.shape_cast %reduce_sum3A_81 : vector<1024xf32> to vector<1024x1xf32>
    %swap3A = arith.constant 0 : index
    %swap3A_82 = arith.constant 0 : index
    %swap3A_83 = vector.load %arg3[%swap3A, %swap3A_82] : memref<1024x1xf32, #tpu.memory_space<vmem>>, vector<1024x1xf32>
    tpu.vector_store %arg3[%swap3A, %swap3A_82], %broadcast_in_dim3A {strides = array<i32>} : memref<1024x1xf32, #tpu.memory_space<vmem>>, vector<1024x1xf32>,
    return
  }
  func.func @transform_0(%arg0: i32) -> (i32, i32) {
    %c0_i32 = arith.constant 0 : i32
    %c0_i32_0 = arith.constant 0 : i32
    return %arg0, %c0_i32 : i32, i32
  }
  func.func @transform_1(%arg0: i32) -> (i32, i32) {
    %c0_i32 = arith.constant 0 : i32
    %c0_i32_0 = arith.constant 0 : i32
    %c0_i32_1 = arith.constant 0 : i32
    return %c0_i32, %c0_i32_0 : i32, i32
  }
  func.func @transform_2(%arg0: i32) -> (i32, i32) {
    %c0_i32 = arith.constant 0 : i32
    %c0_i32_0 = arith.constant 0 : i32
    return %arg0, %c0_i32 : i32, i32
  }
}

module attributes {stable_mosaic.version = 14 : i64} {
  func.func @_mlp_body(%arg0: memref<4x256xf32, #tpu.memory_space<vmem>>, %arg1: memref<1x1xf32, #tpu.memory_space<smem>>, %arg2: memref<200x200xf32, #tpu.memory_space<vmem>>, %arg3: memref<1x200xf32, #tpu.memory_space<vmem>>, %arg4: memref<200x100xf32, #tpu.memory_space<vmem>>, %arg5: memref<1x100xf32, #tpu.memory_space<vmem>>, %arg6: memref<100x1xf32, #tpu.memory_space<vmem>>, %arg7: memref<1x1xf32, #tpu.memory_space<vmem>>, %arg8: memref<4x1xf32, #tpu.memory_space<vmem>>) attributes {dimension_semantics = [], scalar_prefetch = 0 : i64, scratch_operands = 0 : i64, tpu.core_type = #tpu.core_type<tc>} {
    %get3A = arith.constant 0 : index
    %get3A_0 = arith.constant 0 : index
    %get3A_1 = vector.load %arg0[%get3A, %get3A_0] : memref<4x256xf32, #tpu.memory_space<vmem>>, vector<4x256xf32>
    %slice3A = vector.extract_strided_slice %get3A_1 {offsets = [0, 0], sizes = [4, 100], strides = [1, 1]} : vector<4x256xf32> to vector<4x100xf32>
    %slice3A_2 = vector.extract_strided_slice %get3A_1 {offsets = [0, 128], sizes = [4, 100], strides = [1, 1]} : vector<4x256xf32> to vector<4x100xf32>
    %concatenate3A = tpu.concatenate %slice3A, %slice3A_2 in 1 : vector<4x100xf32>, vector<4x100xf32> -> vector<4x200xf32>
    %get3A_3 = arith.constant 0 : index
    %get3A_4 = arith.constant 0 : index
    %get3A_5 = memref.load %arg1[%get3A_3, %get3A_4] : memref<1x1xf32, #tpu.memory_space<smem>>
    %add3A = vector.broadcast %get3A_5 : f32 to vector<4x200xf32>
    %add3A_6 = arith.addf %concatenate3A, %add3A : vector<4x200xf32>
    %get3A_7 = arith.constant 0 : index
    %get3A_8 = arith.constant 0 : index
    %get3A_9 = vector.load %arg2[%get3A_7, %get3A_8] : memref<200x200xf32, #tpu.memory_space<vmem>>, vector<200x200xf32>
    %dot_general3A = arith.constant dense<0.000000e+00> : vector<4x200xf32>
    %dot_general3A_10 = tpu.matmul %add3A_6, %get3A_9, %dot_general3A {dimension_numbers = #tpu.dot_dimension_numbers<[1], [0], [0], [1], [0, 0, 1, 1], [], []>, transpose_lhs_hint = false} : vector<4x200xf32>, vector<200x200xf32>, vector<4x200xf32> -> vector<4x200xf32>
    %get3A_11 = arith.constant 0 : index
    %get3A_12 = arith.constant 0 : index
    %get3A_13 = vector.load %arg3[%get3A_11, %get3A_12] : memref<1x200xf32, #tpu.memory_space<vmem>>, vector<1x200xf32>
    %add3A_14 = vector.broadcast %get3A_13 : vector<1x200xf32> to vector<4x200xf32>
    %add3A_15 = arith.addf %dot_general3A_10, %add3A_14 : vector<4x200xf32>
    %neg3A = arith.constant 0.000000e+00 : f32
    %neg3A_16 = vector.broadcast %neg3A : f32 to vector<4x200xf32>
    %neg3A_17 = arith.subf %neg3A_16, %add3A_15 : vector<4x200xf32>
    %exp3A = math.exp %neg3A_17 : vector<4x200xf32>
    %add3A_18 = arith.constant 1.000000e+00 : f32
    %add3A_19 = vector.broadcast %add3A_18 : f32 to vector<4x200xf32>
    %add3A_20 = arith.addf %add3A_19, %exp3A : vector<4x200xf32>
    %div3A = arith.constant 1.000000e+00 : f32
    %div3A_21 = vector.broadcast %div3A : f32 to vector<4x200xf32>
    %div3A_22 = arith.divf %div3A_21, %add3A_20 : vector<4x200xf32>
    %get3A_23 = arith.constant 0 : index
    %get3A_24 = arith.constant 0 : index
    %get3A_25 = vector.load %arg4[%get3A_23, %get3A_24] : memref<200x100xf32, #tpu.memory_space<vmem>>, vector<200x100xf32>
    %dot_general3A_26 = arith.constant dense<0.000000e+00> : vector<4x100xf32>
    %dot_general3A_27 = tpu.matmul %div3A_22, %get3A_25, %dot_general3A_26 {dimension_numbers = #tpu.dot_dimension_numbers<[1], [0], [0], [1], [0, 0, 1, 1], [], []>, transpose_lhs_hint = false} : vector<4x200xf32>, vector<200x100xf32>, vector<4x100xf32> -> vector<4x100xf32>
    %get3A_28 = arith.constant 0 : index
    %get3A_29 = arith.constant 0 : index
    %get3A_30 = vector.load %arg5[%get3A_28, %get3A_29] : memref<1x100xf32, #tpu.memory_space<vmem>>, vector<1x100xf32>
    %add3A_31 = vector.broadcast %get3A_30 : vector<1x100xf32> to vector<4x100xf32>
    %add3A_32 = arith.addf %dot_general3A_27, %add3A_31 : vector<4x100xf32>
    %neg3A_33 = arith.constant 0.000000e+00 : f32
    %neg3A_34 = vector.broadcast %neg3A_33 : f32 to vector<4x100xf32>
    %neg3A_35 = arith.subf %neg3A_34, %add3A_32 : vector<4x100xf32>
    %exp3A_36 = math.exp %neg3A_35 : vector<4x100xf32>
    %add3A_37 = arith.constant 1.000000e+00 : f32
    %add3A_38 = vector.broadcast %add3A_37 : f32 to vector<4x100xf32>
    %add3A_39 = arith.addf %add3A_38, %exp3A_36 : vector<4x100xf32>
    %div3A_40 = arith.constant 1.000000e+00 : f32
    %div3A_41 = vector.broadcast %div3A_40 : f32 to vector<4x100xf32>
    %div3A_42 = arith.divf %div3A_41, %add3A_39 : vector<4x100xf32>
    %get3A_43 = arith.constant 0 : index
    %get3A_44 = arith.constant 0 : index
    %get3A_45 = vector.load %arg6[%get3A_43, %get3A_44] : memref<100x1xf32, #tpu.memory_space<vmem>>, vector<100x1xf32>
    %dot_general3A_46 = arith.constant dense<0.000000e+00> : vector<4x1xf32>
    %dot_general3A_47 = tpu.matmul %div3A_42, %get3A_45, %dot_general3A_46 {dimension_numbers = #tpu.dot_dimension_numbers<[1], [0], [0], [1], [0, 0, 1, 1], [], []>, transpose_lhs_hint = false} : vector<4x100xf32>, vector<100x1xf32>, vector<4x1xf32> -> vector<4x1xf32>
    %get3A_48 = arith.constant 0 : index
    %get3A_49 = arith.constant 0 : index
    %get3A_50 = vector.load %arg7[%get3A_48, %get3A_49] : memref<1x1xf32, #tpu.memory_space<vmem>>, vector<1x1xf32>
    %add3A_51 = vector.broadcast %get3A_50 : vector<1x1xf32> to vector<4x1xf32>
    %add3A_52 = arith.addf %dot_general3A_47, %add3A_51 : vector<4x1xf32>
    %neg3A_53 = arith.constant 0.000000e+00 : f32
    %neg3A_54 = vector.broadcast %neg3A_53 : f32 to vector<4x1xf32>
    %neg3A_55 = arith.subf %neg3A_54, %add3A_52 : vector<4x1xf32>
    %exp3A_56 = math.exp %neg3A_55 : vector<4x1xf32>
    %add3A_57 = arith.constant 1.000000e+00 : f32
    %add3A_58 = vector.broadcast %add3A_57 : f32 to vector<4x1xf32>
    %add3A_59 = arith.addf %add3A_58, %exp3A_56 : vector<4x1xf32>
    %div3A_60 = arith.constant 1.000000e+00 : f32
    %div3A_61 = vector.broadcast %div3A_60 : f32 to vector<4x1xf32>
    %div3A_62 = arith.divf %div3A_61, %add3A_59 : vector<4x1xf32>
    %swap3A = arith.constant 0 : index
    %swap3A_63 = arith.constant 0 : index
    %swap3A_64 = vector.load %arg8[%swap3A, %swap3A_63] : memref<4x1xf32, #tpu.memory_space<vmem>>, vector<4x1xf32>
    tpu.vector_store %arg8[%swap3A, %swap3A_63], %div3A_62 {strides = array<i32>} : memref<4x1xf32, #tpu.memory_space<vmem>>, vector<4x1xf32>,
    return
  }
}

</mosaic_0001>

<sc_bundles>
// kernel: kernel.5.cloned.1.call-start
scs
__scs_entry_jumppad:
0x0: {  	(pc) =	sbr.rel $0x88, $3  }
0x1: {  	(tag) =	ssettag $0x0;
	lr =	simm.s32 $0x1  }
0x2: {  	[smem:$0x3F98] =	sst lr;
	_ =	strace $0xD0000000  }
0x3: {  	_ = 	snop  }
0x4: {  	_ = 	snop  }
0x5: {  	_ = 	snop  }
0x6: {  	_ = 	snop  }
0x7: {  	_ = 	snop  }
__scs_overlays_trampoline_lowered:
0x8: {  	[smem:$0x3FA7] =	sst s0  }
0x9: {  	[smem:$0x3FA8] =	sst s1  }
0xa: {  	[smem:$0x3FA9] =	sst s2  }
0xb: {  	[smem:$0x3FAA] =	sst s3  }
0xc: {  	[smem:$0x3FAB] =	sst s4  }
0xd: {  	[smem:$0x3FAC] =	sst s5  }
0xe: {  	[smem:$0x3FAD] =	sst s6  }
0xf: {  	[smem:$0x3FAE] =	sst s7  }
0x10: {  	[smem:$0x3FAF] =	sst s8  }
0x11: {  	[smem:$0x3FB0] =	sst s9;
	s0 =	simm.s32 @!p0 $0x0  }
0x12: {  	s1 =	sld [smem:$0x3F96];
	s0 =	simm.s32 @p0 $0x1  }
0x13: {  	[smem:$0x3FB1] =	sst s0;
	s0 =	simm.s32 @!p1 $0x0  }
0x14: {  	s2 =	sld [smem:$0x3F95];
	s0 =	simm.s32 @p1 $0x1  }
0x15: {  	[smem:$0x3FB2] =	sst s0;
	s0 =	simm.s32 @!p2 $0x0  }
0x16: {  	s3 =	sld [smem:$0x3FDB];
	s0 =	simm.s32 @p2 $0x1  }
0x17: {  	s4 =	simm.s32 $0x1BF5;
	[smem:$0x3FB4] =	sst s0  }
0x18: {  	s0 =	sld [smem:$0x3F97];
	_ =	swait.ge [sflag:s4], $0x0  }
0x19: {  	s7 =	sld [smem:$0x3F98]  }
0x1a: {  	s8 =	sadd.s32 $0xFFFFE003, lr  }
0x1b: {  	s9 =	sadd.s32 $0xFFFFFEF7, lr;
	s5 =	simm.s32 $0xFFFFFFFF;
	p2 =	slt.u32 s8, $0xFFFFF086  }
0x1c: {  	p1 =	slt.u32 s9, $0xF7A;
	s5 =	simm.s32 @!p2 $0x0  }
0x1d: {  	s5 =	simm.s32 @p1 $0x1;
	p0 =	seq.s32 s7, s2  }
0x1e: {  	s7 =	smul.u32 @!p0 $0xF7A, s2;
	p2 =	seq.s32 @!p0 s5, $0x0  }
0x1f: {  	s9 =	smul.u32 $0xF7A, s1;
	s8 =	simm.s32 @!p0 $0x1BF5;
	p2 =	por !p2, p0  }
0x20: {  	[sflag:s8] =	ssyncset.s32 @!p0 $0xFFFFF086;
	s6 =	sadd.s32 @!p0 s3, s7;
	s7 =	simm.s32 @!p0 $0x108  }
0x21: {  	s3 =	sadd.s32 s3, s9;
	s6 =	sadd.s32 @!p0 $0x88, s6;
	s7 =	simm.s32 @p2 $0x1082  }
0x22: {  	[simem:s7], [sflag:s8] =	dma.local @!p0 [hbm:s6], $0xF7A  }
0x23: {  	s9 =	sor.u32 $0xD0000000, s2;
	s6 =	simm.s32 $0x108;
	_ =	swait.ge @!p0 [sflag:s8], $0x0  }
0x24: {  	s3 =	sadd.s32 $0x88, s3;
	s6 =	simm.s32 @!p1 $0x1082;
	[sflag:s4] =	ssyncset.s32 $0xFFFFF086  }
0x25: {  	[simem:s6], [sflag:s4] =	dma.local [hbm:s3], $0xF7A  }
0x26: {  	[smem:$0x3F98] =	sst s1;
	(tag) =	ssettag s2;
	_ =	strace s9  }
0x27: {  	s1 =	sld [smem:$0x3FA8]  }
0x28: {  	s2 =	sld [smem:$0x3FA9]  }
0x29: {  	s4 =	sld [smem:$0x3FAB]  }
0x2a: {  	p0 =	seq.s32 s5, $0x0;
	s5 =	sld [smem:$0x3FAC]  }
0x2b: {  	s6 =	sld [smem:$0x3FAD]  }
0x2c: {  	s7 =	sld [smem:$0x3FAE]  }
0x2d: {  	s3 =	simm.s32 $0x108;
	s8 =	sld [smem:$0x3FAF]  }
0x2e: {  	s3 =	simm.s32 @!p0 $0x1082;
	s9 =	sld [smem:$0x3FB0]  }
0x2f: {  	lr =	sadd.s32 s0, s3;
	s0 =	sld [smem:$0x3FA7]  }
0x30: {  	s3 =	sld [smem:$0x3FAA]  }
0x31: {  	[smem:$0x3FB3] =	sst s10  }
0x32: {  	s10 =	sld [smem:$0x3FB1];
	_ =	sdelay $0x3  }
0x33: {  	p0 =	seq.s32 s10, $0x1;
	s10 =	sld [smem:$0x3FB3];
	_ =	sdelay $0x3  }
0x34: {  	[smem:$0x3FB3] =	sst s10  }
0x35: {  	s10 =	sld [smem:$0x3FB2];
	_ =	sdelay $0x3  }
0x36: {  	p1 =	seq.s32 s10, $0x1;
	s10 =	sld [smem:$0x3FB3];
	_ =	sdelay $0x3  }
0x37: {  	[smem:$0x3FB3] =	sst s10  }
0x38: {  	s10 =	sld [smem:$0x3FB4]  }
0x39: {  	_ = 	snop;
	(pc) =	sbr.ind lr, $3  }
0x3a: {  	_ = 	snop  }
0x3b: {  	_ = 	snop  }
0x3c: {  	p2 =	seq.s32 s10, $0x1;
	s10 =	sld [smem:$0x3FB3]  }
0x3d: {  	_ =	shalt  }
0x3e: {  	_ =	shalt  }
0x3f: {  	_ =	shalt  }
0x40: {  	_ =	shalt  }
0x41: {  	_ =	shalt  }
0x42: {  	_ =	shalt  }
0x43: {  	_ =	shalt  }
0x44: {  	_ =	shalt  }
0x45: {  	_ =	shalt  }
0x46: {  	_ =	shalt  }
0x47: {  	_ =	shalt  }
0x48: {  	_ =	shalt  }
0x49: {  	_ =	shalt  }
0x4a: {  	_ =	shalt  }
0x4b: {  	_ =	shalt  }
0x4c: {  	_ =	shalt  }
0x4d: {  	_ =	shalt  }
0x4e: {  	_ =	shalt  }
0x4f: {  	_ =	shalt  }
0x50: {  	_ =	shalt  }
0x51: {  	_ =	shalt  }
0x52: {  	_ =	shalt  }
0x53: {  	_ =	shalt  }
0x54: {  	_ =	shalt  }
0x55: {  	_ =	shalt  }
0x56: {  	_ =	shalt  }
0x57: {  	_ =	shalt  }
0x58: {  	_ =	shalt  }
0x59: {  	_ =	shalt  }
0x5a: {  	_ =	shalt  }
0x5b: {  	_ =	shalt  }
0x5c: {  	_ =	shalt  }
0x5d: {  	_ =	shalt  }
0x5e: {  	_ =	shalt  }
0x5f: {  	_ =	shalt  }
0x60: {  	_ =	shalt  }
0x61: {  	_ =	shalt  }
0x62: {  	_ =	shalt  }
0x63: {  	_ =	shalt  }
0x64: {  	_ =	shalt  }
0x65: {  	_ =	shalt  }
0x66: {  	_ =	shalt  }
0x67: {  	_ =	shalt  }
0x68: {  	_ =	shalt  }
0x69: {  	_ =	shalt  }
0x6a: {  	_ =	shalt  }
0x6b: {  	_ =	shalt  }
0x6c: {  	_ =	shalt  }
0x6d: {  	_ =	shalt  }
0x6e: {  	_ =	shalt  }
0x6f: {  	_ =	shalt  }
0x70: {  	_ =	shalt  }
0x71: {  	_ =	shalt  }
0x72: {  	_ =	shalt  }
0x73: {  	_ =	shalt  }
0x74: {  	_ =	shalt  }
0x75: {  	_ =	shalt  }
0x76: {  	_ =	shalt  }
0x77: {  	_ =	shalt  }
0x78: {  	_ =	shalt  }
0x79: {  	_ =	shalt  }
0x7a: {  	_ =	shalt  }
0x7b: {  	_ =	shalt  }
0x7c: {  	_ =	shalt  }
0x7d: {  	_ =	shalt  }
0x7e: {  	_ =	shalt  }
0x7f: {  	_ =	shalt  }
0x80: {  	_ =	shalt  }
0x81: {  	_ =	shalt  }
0x82: {  	_ =	shalt  }
0x83: {  	_ =	shalt  }
0x84: {  	_ =	shalt  }
0x85: {  	_ =	shalt  }
0x86: {  	_ =	shalt  }
0x87: {  	_ =	shalt  }
.Lfunc_end0:
.L_simem_size_0:
called_computation_lowered:
.L_overlay_start_0:
0x88: {  	s2 =	sld [smem:$0x3FD9]  }
0x89: {  	s3 =	sld [smem:$0x3FFE];
	_ =	sdelay $0x1  }
0x8a: {  	s1 =	srdreg.scid  }
0x8b: {  	s0 =	sand.u32 $0x1, s1  }
0x8c: {  	s16 =	sshll.u32 s0, $0xA;
	s2 =	sadd.s32 s3, s2  }
0x8d: {  	s2 =	sadd.s32 s2, s16  }
0x8e: {  	[smem:$0x3FBF] =	sst s2  }
0x8f: {  	_ = 	snop  }
0x90: {  	(tm) =	ssettm $0x1  }
0x91: {  	s17 =	sld [smem:$0x3FFB];
	_ =	sdelay $0x3  }
0x92: {  	_ =	strace s17  }
0x93: {  	s2 =	sld [smem:$0x3FFC];
	_ =	sdelay $0x3  }
0x94: {  	_ =	strace s2  }
0x95: {  	s2 =	sld [smem:$0x3FFD];
	_ =	sdelay $0x3  }
0x96: {  	_ =	strace s2  }
0x97: {  	_ =	strace $0x8FFFFFFF  }
0x98: {  	s18 =	sld [smem:$0x3FDB];
	_ =	sdelay $0x1  }
0x99: {  	s19 =	simm.s32 $_scs_section_size  }
0x9a: {  	s4 =	simm.s32 $_size__tile_overlayer_lowered;
	s5 =	simm.s32 $_tile_overlayer_lowered  }
0x9b: {  	s22 =	simm.s32 $0x1BFF;
	s21 =	sshll.u32 s5, $0x1;
	s2 =	sadd.s32 s19, s18  }
0x9c: {  	s6 =	simm.s32 $0x0;
	s20 =	sshll.u32 s4, $0x1;
	s4 =	sadd.s32 s21, s2  }
0x9d: {  	[timem:s6], [sflag:s22] =	dma.local [hbm:s4], s20  }
0x9e: {  	_ =	swait.ge [sflag:s22], s20  }
0x9f: {  	s3 =	ssub.s32 $0x0, s20;
	[sflag:s22] =	ssyncset.done $0x0  }
0xa0: {  	[sflag:s22] =	ssyncadd.s32 s3;
	_ =	sdelay $0x1  }
0xa1: {  	s23 =	simm.s32 $0x1B8B  }
0xa2: {  	_ =	swait.ge [sflag:s23], $0x1  }
0xa3: {  	[sflag:s23] =	ssyncset.done $0x0  }
0xa4: {  	s25 =	simm.s32 $0x1B8E;
	s24 =	sld [smem:$0x3FFE];
	[sflag:s23] =	ssyncadd.s32 $0xFFFFFFFF  }
0xa5: {  	s26 =	simm.s32 $execute0_lowered;
	[smem:$0x3FD2] =	sst s25  }
0xa6: {  	s4 =	sshll.u32 s26, $0x1;
	_ =	strace $0x80000046;
	[dreg:$0x1] =	wrdreg $0xFFFFFFFF  }
0xa7: {  	s28 =	simm.s32 $_size_execute0_lowered;
	s2 =	sadd.s32 s2, s4;
	[dreg:$0x0] =	wrdreg $0x0  }
0xa8: {  	s4 =	sshll.u32 s28, $0x1;
	[dreg:$0x2] =	wrdreg s2  }
0xa9: {  	[dreg:$0x3] =	wrdreg s4  }
0xaa: {  	[dreg:$0x4] =	wrdreg $0xC0  }
0xab: {  	_ =	task [dreg:s6], $0x5FFFF  }
0xac: {  	[dreg:$0x1] =	wrdreg $0xFFFFFFFF  }
0xad: {  	[dreg:$0x0] =	wrdreg $0x60  }
0xae: {  	[dreg:$0x2] =	wrdreg s24  }
0xaf: {  	[dreg:$0x3] =	wrdreg $0x9  }
0xb0: {  	_ =	task.clear_ibuf [dreg:s6], $0x4FFFF;
	_ =	strace $0x90000046  }
0xb1: {  	s29 =	simm.s32 $0x9;
	_ =	strace $0x80000048  }
0xb2: {  	_ =	swait.ge [sflag:s29], $0x1  }
0xb3: {  	[sflag:s29] =	ssyncadd.s32 $0xFFFFFFFF  }
0xb4: {  	_ =	strace $0x90000048  }
0xb5: {  	_ =	sfence  }
0xb6: {  	s30 =	sld [smem:$0x0];
	_ =	sdelay $0x2  }
0xb7: {  	s31 =	sshll.u32 s1, $0xD;
	s1 =	sshrl.u32 s1, $0x2  }
0xb8: {  	s3 =	sand.u32 $0x4000, s31;
	s1 =	sadd.s32 s1, s30  }
0xb9: {  	s0 =	sor.u32 s3, s0;
	s1 =	sshll.u32 s1, $0x11  }
0xba: {  	s0 =	sor.u32 s1, s0  }
0xbb: {  	s0 =	sadd.s32 $0x8F2B, s0  }
0xbc: {  	[sflag:s0] =	ssyncadd.remote.s32 $0x1  }
0xbd: {  	_ =	sfence.sel $0xFFFF  }
0xbe: {  	[dreg:$0x0] =	wrdreg $0xFFFFFFFF;
	(pc) =	sbr.abs _section_cstart, $3  }
0xbf: {  	[dreg:$0x1] =	wrdreg $0xFFFFFFFF  }
0xc0: {  	_ =	task.clear_ibuf [dreg:s6], $0x2FFFF;
	_ =	strace $0x9FFFFFFF  }
0xc1: {  	(tm) =	ssettm $0x7FFFFFFF  }
tec
execute0_lowered:
.L_overlay_start_1:
0x0: {  	(tag) =	ssettag $0x1  }
0x1: {  	s1 =	stileid.u32  }
0x2: {  	p0 =	sgt.u32 s1, $0x1  }
.Ltmp0:
0x3: {  	_ = 	snop;
	(pc) =	sbr.rel @p0 .LBB2_5-.Ltmp0, $4  }
0x4: {  	_ = 	snop  }
0x5: {  	s3 =	rddreg [dreg:$0x0];
	s2 =	simm.s32 $0x0  }
0x6: {  	[smem:$0x7FF] =	sst s2  }
0x7: {  	s0 =	rddreg [dreg:$0x1];
	_ =	strace $0x80000047  }
0x8: {  	s4 =	srdreg.scid  }
0x9: {  	s4 =	sand.u32 $0x1, s4  }
0xa: {  	s5 =	sshll.u32 s1, $0x5;
	s6 =	sshll.u32 s4, $0x4;
	s4 =	ssub.s32 $0x2, s4  }
0xb: {  	v0 =	vlaneseq.u32;
	s8 =	sadd.s32 $0x800, s3;
	s5 =	sor.u32 s6, s5;
	s7 =	sshrl.u32 s4, $0x1  }
0xc: {  	s9 =	simm.s32 $0x2000;
	v0 =	vmul.u32 $0xFFFFFFFF, v0;
	s6 =	sadd.s32 s5, s3;
	s31 =	ssub.s32 s4, s7  }
0xd: {  	s4 =	sadd.s32 s8, s5;
	s7 =	simm.s32 $0x200;
	s8 =	simm.s32 $0x1  }
0xe: {  	v0 =	vadd.s32 $0xF, v0;
	s3 =	sadd.s32 $0x1800, s6;
	s5 =	smax.u32 s31, $0x1;
	s6 =	simm.s32 $0x80  }
.LBB2_2:
0xf: {  	s10 =	simm.s32 $0x0  }
0x10: {  	[tilespmem:s10], [sflag:$0x1] =	stream.strided.gather [hbm4b:s4+s6], $0x2000, s7, s6, $0x38;
	[tilespmem:$0x2100] =	vst v63  }
0x11: {  	_ =	swait.ge [sflag:s8], $0x2000  }
0x12: {  	[sflag:s8] =	ssyncset.done $0x0  }
0x13: {  	[sflag:s8] =	ssyncadd.s32 $0xFFFFE000  }
0x14: {  	v1 =	vld [tilespmem:$0x0]  }
0x15: {  	v2 =	vld [tilespmem:$0x10];
	_ =	sdelay $0x3  }
0x16: {  	(xrf1) =	vsort.dscd.msk.f32 $0xffff, v1, v1  }
0x17: {  	(xrf1) =	vsort.ascd.msk.f32 $0xffff, v2, v2;
	_ =	sdelay $0xc  }
0x18: {  	v1 =	vld [tilespmem:$0x20];
	v2, _, _ =	vpop (xrf1)  }
0x19: {  	v3 =	vld [tilespmem:$0x30];
	v4, _, _ =	vpop (xrf1)  }
0x1a: {  	v5 =	vmax.f32 v2, v4  }
0x1b: {  	v2 =	vmin.f32 v2, v4;
	(xrf1) =	vsort.dscd.msk.f32 $0xffff, v5, v5  }
0x1c: {  	(xrf1) =	vsort.dscd.msk.f32 $0xffff, v2, v2  }
0x1d: {  	(xrf1) =	vsort.dscd.msk.f32 $0xffff, v1, v1  }
0x1e: {  	(xrf1) =	vsort.ascd.msk.f32 $0xffff, v3, v3;
	_ =	sdelay $0xa  }
0x1f: {  	v1, _, _ =	vpop (xrf1)  }
0x20: {  	v2, _, _ =	vpop (xrf1)  }
0x21: {  	v3, _, _ =	vpop (xrf1)  }
0x22: {  	v4, _, _ =	vpop (xrf1)  }
0x23: {  	v5 =	vmin.f32 v3, v4  }
0x24: {  	v3 =	vmax.f32 v3, v4;
	(xrf1) =	vsort.ascd.msk.f32 $0xffff, v5, v5  }
0x25: {  	(xrf1) =	vsort.ascd.msk.f32 $0xffff, v3, v3;
	_ =	sdelay $0xc  }
0x26: {  	v3, _, _ =	vpop (xrf1)  }
0x27: {  	v4, _, _ =	vpop (xrf1)  }
0x28: {  	v5 =	vmax.f32 v1, v3;
	v6 =	vmax.f32 v2, v4  }
0x29: {  	v7 =	vld [tilespmem:$0x40];
	v1 =	vmin.f32 v1, v3;
	v3 =	vmax.f32 v5, v6  }
0x2a: {  	v8 =	vld [tilespmem:$0x50];
	v2 =	vmin.f32 v2, v4;
	v4 =	vmin.f32 v5, v6;
	(xrf1) =	vsort.dscd.msk.f32 $0xffff, v3, v3  }
0x2b: {  	v3 =	vmax.f32 v1, v2;
	(xrf1) =	vsort.dscd.msk.f32 $0xffff, v4, v4  }
0x2c: {  	v1 =	vmin.f32 v1, v2;
	(xrf1) =	vsort.dscd.msk.f32 $0xffff, v3, v3  }
0x2d: {  	(xrf1) =	vsort.dscd.msk.f32 $0xffff, v1, v1  }
0x2e: {  	(xrf1) =	vsort.dscd.msk.f32 $0xffff, v7, v7  }
0x2f: {  	(xrf1) =	vsort.ascd.msk.f32 $0xffff, v8, v8;
	_ =	sdelay $0x8  }
0x30: {  	v1, _, _ =	vpop (xrf1)  }
0x31: {  	v2, _, _ =	vpop (xrf1)  }
0x32: {  	v3, _, _ =	vpop (xrf1)  }
0x33: {  	v4, _, _ =	vpop (xrf1)  }
0x34: {  	v5 =	vld [tilespmem:$0x60];
	v6, _, _ =	vpop (xrf1)  }
0x35: {  	v7 =	vld [tilespmem:$0x70];
	v8, _, _ =	vpop (xrf1)  }
0x36: {  	v9 =	vmax.f32 v6, v8  }
0x37: {  	v6 =	vmin.f32 v6, v8;
	(xrf1) =	vsort.dscd.msk.f32 $0xffff, v9, v9  }
0x38: {  	(xrf1) =	vsort.dscd.msk.f32 $0xffff, v6, v6  }
0x39: {  	(xrf1) =	vsort.dscd.msk.f32 $0xffff, v5, v5  }
0x3a: {  	(xrf1) =	vsort.ascd.msk.f32 $0xffff, v7, v7;
	_ =	sdelay $0xa  }
0x3b: {  	v5, _, _ =	vpop (xrf1)  }
0x3c: {  	v6, _, _ =	vpop (xrf1)  }
0x3d: {  	v7, _, _ =	vpop (xrf1)  }
0x3e: {  	v8, _, _ =	vpop (xrf1)  }
0x3f: {  	v9 =	vmin.f32 v7, v8  }
0x40: {  	v7 =	vmax.f32 v7, v8;
	(xrf1) =	vsort.ascd.msk.f32 $0xffff, v9, v9  }
0x41: {  	(xrf1) =	vsort.ascd.msk.f32 $0xffff, v7, v7;
	_ =	sdelay $0xc  }
0x42: {  	v7, _, _ =	vpop (xrf1)  }
0x43: {  	v8, _, _ =	vpop (xrf1)  }
0x44: {  	v9 =	vmin.f32 v5, v7;
	v10 =	vmin.f32 v6, v8  }
0x45: {  	v5 =	vmax.f32 v5, v7;
	v7 =	vmin.f32 v9, v10  }
0x46: {  	v6 =	vmax.f32 v6, v8;
	v8 =	vmax.f32 v9, v10;
	(xrf1) =	vsort.ascd.msk.f32 $0xffff, v7, v7  }
0x47: {  	v7 =	vmin.f32 v5, v6;
	(xrf1) =	vsort.ascd.msk.f32 $0xffff, v8, v8  }
0x48: {  	v5 =	vmax.f32 v5, v6;
	(xrf1) =	vsort.ascd.msk.f32 $0xffff, v7, v7  }
0x49: {  	(xrf1) =	vsort.ascd.msk.f32 $0xffff, v5, v5;
	_ =	sdelay $0xa  }
0x4a: {  	v5, _, _ =	vpop (xrf1)  }
0x4b: {  	v6, _, _ =	vpop (xrf1)  }
0x4c: {  	v7, _, _ =	vpop (xrf1)  }
0x4d: {  	v9 =	vmax.f32 v1, v5;
	v1 =	vmin.f32 v1, v5;
	v10 =	vmax.f32 v2, v6;
	v8, _, _ =	vpop (xrf1)  }
0x4e: {  	v2 =	vmin.f32 v2, v6;
	v11 =	vmax.f32 v3, v7;
	v12 =	vmax.f32 v4, v8  }
0x4f: {  	v3 =	vmin.f32 v3, v7;
	v5 =	vmax.f32 v9, v11;
	v6 =	vmax.f32 v10, v12  }
0x50: {  	v4 =	vmin.f32 v4, v8;
	v7 =	vmin.f32 v9, v11;
	v8 =	vmax.f32 v5, v6  }
0x51: {  	v9 =	vmin.f32 v10, v12;
	v5 =	vmin.f32 v5, v6;
	(xrf1) =	vsort.dscd.msk.f32 $0xffff, v8, v8  }
0x52: {  	v6 =	vmin.f32 v7, v9;
	(xrf1) =	vsort.dscd.msk.f32 $0xffff, v5, v5;
	v5 =	vmax.f32 v7, v9  }
0x53: {  	s30 =	simm.s32 $0x0;
	v7 =	vmax.f32 v2, v4;
	(xrf1) =	vsort.dscd.msk.f32 $0xffff, v5, v5;
	v5 =	vmax.f32 v1, v3  }
0x54: {  	v1 =	vmin.f32 v1, v3;
	(xrf1) =	vsort.dscd.msk.f32 $0xffff, v6, v6;
	v3 =	vmax.f32 v5, v7;
	v6 =	vld [tilespmem:s30+$0x80]  }
0x55: {  	v2 =	vmin.f32 v2, v4;
	v4 =	vmin.f32 v5, v7;
	(xrf1) =	vsort.dscd.msk.f32 $0xffff, v3, v3;
	v3 =	vld [tilespmem:s30+$0x90]  }
0x56: {  	v5 =	vld [tilespmem:s30+$0xA0];
	(xrf1) =	vsort.dscd.msk.f32 $0xffff, v4, v4;
	v4 =	vmax.f32 v1, v2  }
0x57: {  	v1 =	vmin.f32 v1, v2;
	v2 =	vld [tilespmem:s30+$0xB0];
	(xrf1) =	vsort.dscd.msk.f32 $0xffff, v4, v4  }
0x58: {  	(xrf1) =	vsort.dscd.msk.f32 $0xffff, v1, v1  }
0x59: {  	v1 =	vld [tilespmem:s30+$0xC0];
	(xrf1) =	vsort.dscd.msk.f32 $0xffff, v6, v6  }
0x5a: {  	v4 =	vld [tilespmem:s30+$0xD0];
	(xrf1) =	vsort.ascd.msk.f32 $0xffff, v3, v3  }
0x5b: {  	v6 =	vld [tilespmem:s30+$0xE0];
	(xrf1) =	vsort.dscd.msk.f32 $0xffff, v5, v5  }
0x5c: {  	v3 =	vld [tilespmem:s30+$0xF0];
	(xrf1) =	vsort.ascd.msk.f32 $0xffff, v2, v2;
	_ =	sdelay $0x1  }
0x5d: {  	(xrf1) =	vsort.dscd.msk.f32 $0xffff, v1, v1  }
0x5e: {  	(xrf1) =	vsort.ascd.msk.f32 $0xffff, v4, v4;
	v1, _, _ =	vpop (xrf1)  }
0x5f: {  	(xrf1) =	vsort.dscd.msk.f32 $0xffff, v6, v6;
	v2, _, _ =	vpop (xrf1)  }
0x60: {  	(xrf1) =	vsort.ascd.msk.f32 $0xffff, v3, v3;
	v3, _, _ =	vpop (xrf1)  }
0x61: {  	v4, _, _ =	vpop (xrf1)  }
0x62: {  	v5, _, _ =	vpop (xrf1)  }
0x63: {  	v6, _, _ =	vpop (xrf1)  }
0x64: {  	v7, _, _ =	vpop (xrf1)  }
0x65: {  	v8, _, _ =	vpop (xrf1)  }
0x66: {  	v9, _, _ =	vpop (xrf1)  }
0x67: {  	v10, _, _ =	vpop (xrf1)  }
0x68: {  	v11, _, _ =	vpop (xrf1);
	v12 =	vmax.f32 v9, v10  }
0x69: {  	v9 =	vmin.f32 v9, v10;
	v13, _, _ =	vpop (xrf1);
	(xrf1) =	vsort.dscd.msk.f32 $0xffff, v12, v12  }
0x6a: {  	v12 =	vmin.f32 v11, v13;
	(xrf1) =	vsort.dscd.msk.f32 $0xffff, v9, v9  }
0x6b: {  	v10, _, _ =	vpop (xrf1);
	v11 =	vmax.f32 v11, v13;
	(xrf1) =	vsort.ascd.msk.f32 $0xffff, v12, v12  }
0x6c: {  	v9, _, _ =	vpop (xrf1);
	(xrf1) =	vsort.ascd.msk.f32 $0xffff, v11, v11  }
0x6d: {  	v13 =	vmax.f32 v10, v9;
	v12, _, _ =	vpop (xrf1)  }
0x6e: {  	v9 =	vmin.f32 v10, v9;
	(xrf1) =	vsort.dscd.msk.f32 $0xffff, v13, v13;
	v11, _, _ =	vpop (xrf1)  }
0x6f: {  	(xrf1) =	vsort.dscd.msk.f32 $0xffff, v9, v9;
	v10 =	vmin.f32 v12, v11  }
0x70: {  	v9 =	vmax.f32 v12, v11;
	(xrf1) =	vsort.ascd.msk.f32 $0xffff, v10, v10  }
0x71: {  	(xrf1) =	vsort.ascd.msk.f32 $0xffff, v9, v9;
	_ =	sdelay $0x5  }
0x72: {  	v9, _, _ =	vpop (xrf1)  }
0x73: {  	v10, _, _ =	vpop (xrf1)  }
0x74: {  	v11, _, _ =	vpop (xrf1)  }
0x75: {  	v12, _, _ =	vpop (xrf1)  }
0x76: {  	v14 =	vmax.f32 v9, v11;
	v15 =	vmax.f32 v10, v12  }
0x77: {  	v9 =	vmin.f32 v9, v11;
	v13, _, _ =	vpop (xrf1);
	v11 =	vmax.f32 v14, v15  }
0x78: {  	v16, _, _ =	vpop (xrf1)  }
0x79: {  	v10 =	vmin.f32 v10, v12;
	v12 =	vmin.f32 v14, v15;
	(xrf1) =	vsort.dscd.msk.f32 $0xffff, v11, v11;
	v17, _, _ =	vpop (xrf1)  }
0x7a: {  	v14 =	vmax.f32 v9, v10;
	v9 =	vmin.f32 v9, v10;
	(xrf1) =	vsort.dscd.msk.f32 $0xffff, v12, v12;
	v11, _, _ =	vpop (xrf1)  }
0x7b: {  	v15 =	vmin.f32 v13, v17;
	(xrf1) =	vsort.dscd.msk.f32 $0xffff, v14, v14;
	v10 =	vmin.f32 v16, v11  }
0x7c: {  	v12 =	vmax.f32 v13, v17;
	(xrf1) =	vsort.dscd.msk.f32 $0xffff, v9, v9;
	v13 =	vmin.f32 v15, v10  }
0x7d: {  	v9 =	vmax.f32 v16, v11;
	v10 =	vmax.f32 v15, v10;
	(xrf1) =	vsort.ascd.msk.f32 $0xffff, v13, v13  }
0x7e: {  	v11 =	vmin.f32 v12, v9;
	(xrf1) =	vsort.ascd.msk.f32 $0xffff, v10, v10  }
0x7f: {  	s31 =	simm.s32 $0x80;
	v9 =	vmax.f32 v12, v9;
	(xrf1) =	vsort.ascd.msk.f32 $0xffff, v11, v11  }
0x80: {  	(xrf1) =	vsort.ascd.msk.f32 $0xffff, v9, v9;
	v9 =	vld [tilespmem:s31+$0x80]  }
0x81: {  	v10 =	vld [tilespmem:s31+$0x90]  }
0x82: {  	v11 =	vld [tilespmem:s31+$0xA0]  }
0x83: {  	v12 =	vld [tilespmem:s31+$0xB0]  }
0x84: {  	v13 =	vld [tilespmem:s31+$0xC0]  }
0x85: {  	v14 =	vld [tilespmem:s31+$0xD0];
	(xrf1) =	vsort.dscd.msk.f32 $0xffff, v9, v9  }
0x86: {  	v9 =	vld [tilespmem:s31+$0xE0];
	(xrf1) =	vsort.ascd.msk.f32 $0xffff, v10, v10  }
0x87: {  	v15 =	vld [tilespmem:s31+$0xF0];
	v10, _, _ =	vpop (xrf1);
	(xrf1) =	vsort.dscd.msk.f32 $0xffff, v11, v11  }
0x88: {  	v11, _, _ =	vpop (xrf1);
	(xrf1) =	vsort.ascd.msk.f32 $0xffff, v12, v12  }
0x89: {  	v12, _, _ =	vpop (xrf1);
	(xrf1) =	vsort.dscd.msk.f32 $0xffff, v13, v13  }
0x8a: {  	v13, _, _ =	vpop (xrf1);
	(xrf1) =	vsort.ascd.msk.f32 $0xffff, v14, v14  }
0x8b: {  	v14, _, _ =	vpop (xrf1);
	(xrf1) =	vsort.dscd.msk.f32 $0xffff, v9, v9  }
0x8c: {  	v9, _, _ =	vpop (xrf1);
	(xrf1) =	vsort.ascd.msk.f32 $0xffff, v15, v15  }
0x8d: {  	v16 =	vmax.f32 v10, v14;
	v10 =	vmin.f32 v10, v14;
	v15, _, _ =	vpop (xrf1);
	v17 =	vmax.f32 v11, v9  }
0x8e: {  	v9 =	vmin.f32 v11, v9;
	v18 =	vmax.f32 v12, v15;
	v19, _, _ =	vpop (xrf1);
	v12 =	vmin.f32 v12, v15  }
0x8f: {  	v20 =	vmax.f32 v13, v19;
	v11 =	vmin.f32 v13, v19;
	v13 =	vmax.f32 v10, v12  }
0x90: {  	v10 =	vmin.f32 v10, v12;
	v14 =	vmax.f32 v9, v11;
	v9 =	vmin.f32 v9, v11  }
0x91: {  	v12 =	vmax.f32 v16, v18;
	v15 =	vmin.f32 v16, v18;
	v11 =	vmin.f32 v10, v9  }
0x92: {  	v18 =	vmin.f32 v17, v20;
	v16 =	vmin.f32 v13, v14;
	(xrf1) =	vsort.ascd.msk.f32 $0xffff, v11, v11  }
0x93: {  	v11 =	vmax.f32 v17, v20;
	v17 =	vmin.f32 v15, v18;
	(xrf1) =	vsort.ascd.msk.f32 $0xffff, v16, v16  }
0x94: {  	v16 =	vmin.f32 v12, v11;
	(xrf1) =	vsort.ascd.msk.f32 $0xffff, v17, v17  }
0x95: {  	v11 =	vmax.f32 v12, v11;
	v12 =	vmax.f32 v15, v18;
	(xrf1) =	vsort.ascd.msk.f32 $0xffff, v16, v16  }
0x96: {  	(xrf1) =	vsort.ascd.msk.f32 $0xffff, v11, v11  }
0x97: {  	v9 =	vmax.f32 v10, v9;
	v11 =	vmax.f32 v13, v14;
	(xrf1) =	vsort.ascd.msk.f32 $0xffff, v12, v12  }
0x98: {  	v12, _, _ =	vpop (xrf1);
	(xrf1) =	vsort.ascd.msk.f32 $0xffff, v11, v11  }
0x99: {  	v10, _, _ =	vpop (xrf1);
	(xrf1) =	vsort.ascd.msk.f32 $0xffff, v9, v9  }
0x9a: {  	v29 =	vperm.xlane v1, v0;
	v9, _, _ =	vpop (xrf1)  }
0x9b: {  	v28 =	vperm.xlane v2, v0;
	v27 =	vperm.xlane v3, v0;
	v17 =	vmax.f32 v12, v10;
	v11, _, _ =	vpop (xrf1)  }
0x9c: {  	v26 =	vperm.xlane v4, v0;
	v10 =	vmin.f32 v12, v10;
	(xrf1) =	vsort.dscd.msk.f32 $0xffff, v17, v17;
	v13, _, _ =	vpop (xrf1)  }
0x9d: {  	v17 =	vmax.f32 v9, v11;
	v9 =	vmin.f32 v9, v11;
	(xrf1) =	vsort.dscd.msk.f32 $0xffff, v10, v10;
	v14, _, _ =	vpop (xrf1)  }
0x9e: {  	v25 =	vperm.xlane v5, v0;
	v24 =	vperm.xlane v6, v0;
	(xrf1) =	vsort.ascd.msk.f32 $0xffff, v9, v9;
	v15, _, _ =	vpop (xrf1)  }
0x9f: {  	v23 =	vperm.xlane v7, v0;
	v11 =	vmax.f32 v13, v14;
	(xrf1) =	vsort.ascd.msk.f32 $0xffff, v17, v17;
	v16, _, _ =	vpop (xrf1)  }
0xa0: {  	v22 =	vperm.xlane v8, v0;
	v13 =	vmin.f32 v13, v14;
	(xrf1) =	vsort.dscd.msk.f32 $0xffff, v11, v11;
	v18, _, _ =	vpop (xrf1)  }
0xa1: {  	v14 =	vmax.f32 v15, v16;
	v15 =	vmin.f32 v15, v16;
	(xrf1) =	vsort.dscd.msk.f32 $0xffff, v13, v13;
	v12, _, _ =	vpop (xrf1)  }
0xa2: {  	(xrf1) =	vsort.ascd.msk.f32 $0xffff, v15, v15;
	v36 =	vperm.xlane v18, v0;
	v1 =	vmax.f32 v1, v18;
	v10, _, _ =	vpop (xrf1)  }
0xa3: {  	v34 =	vperm.xlane v12, v0;
	v3 =	vmax.f32 v3, v12;
	v9, _, _ =	vpop (xrf1);
	v32 =	vperm.xlane v10, v0  }
0xa4: {  	v5 =	vmax.f32 v5, v10;
	v16, _, _ =	vpop (xrf1);
	v30 =	vperm.xlane v9, v0;
	v7 =	vmax.f32 v7, v9  }
0xa5: {  	v9 =	vmin.f32 v27, v34;
	v11 =	vperm.xlane v16, v0;
	v17, _, _ =	vpop (xrf1);
	v8 =	vmax.f32 v8, v16  }
0xa6: {  	v16 =	vmin.f32 v3, v7;
	v21 =	vmax.f32 v3, v7;
	v31 =	vperm.xlane v17, v0;
	v13, _, _ =	vpop (xrf1)  }
0xa7: {  	(xrf1) =	vsort.ascd.msk.f32 $0xffff, v14, v14;
	v6 =	vmax.f32 v6, v17;
	v14 =	vmin.f32 v1, v5;
	v15, _, _ =	vpop (xrf1)  }
0xa8: {  	v17 =	vmax.f32 v1, v5;
	v4 =	vmax.f32 v4, v13;
	v18 =	vmax.f32 v2, v15  }
0xa9: {  	v35 =	vperm.xlane v15, v0;
	v15 =	vmin.f32 v4, v8;
	v2 =	vmin.f32 v18, v6  }
0xaa: {  	v33 =	vperm.xlane v13, v0;
	v12 =	vmin.f32 v14, v16;
	v13 =	vmin.f32 v2, v15  }
0xab: {  	v20 =	vmax.f32 v4, v8;
	v7 =	vmin.f32 v24, v31;
	v1 =	vmin.f32 v12, v13  }
0xac: {  	v8 =	vmin.f32 v25, v32;
	v18 =	vmax.f32 v18, v6;
	(xrf1) =	vsort.dscd.msk.f32 $0xffff, v1, v1  }
0xad: {  	v6 =	vmin.f32 v23, v30;
	v4 =	vmin.f32 v26, v33;
	v23 =	vmin.f32 v29, v36  }
0xae: {  	v25 =	vmax.f32 v6, v9;
	v1 =	vmin.f32 v22, v11;
	v22 =	vmin.f32 v28, v35  }
0xaf: {  	v10, _, _ =	vpop (xrf1);
	v27 =	vmax.f32 v8, v23;
	v24 =	vmax.f32 v1, v4;
	v26 =	vmax.f32 v7, v22  }
0xb0: {  	v5 =	vmax.f32 v25, v27;
	v11, _, _ =	vpop (xrf1);
	v28 =	vmin.f32 v1, v4;
	v1 =	vmax.f32 v24, v26  }
0xb1: {  	v3, _, _ =	vpop (xrf1);
	v22 =	vmin.f32 v7, v22;
	v7 =	vmax.f32 v1, v5  }
0xb2: {  	v9 =	vmin.f32 v6, v9;
	v8 =	vmin.f32 v8, v23;
	v4, _, _ =	vpop (xrf1)  }
0xb3: {  	v19 =	vmax.f32 v17, v21;
	v63 =	vmax.f32 v9, v8;
	v6, _, _ =	vpop (xrf1);
	(xrf1) =	vsort.ascd.msk.f32 $0xffff, v7, v7  }
0xb4: {  	v29 =	vmax.f32 v28, v22;
	v23 =	vmin.f32 v28, v22;
	v28 =	vmin.f32 v9, v8;
	v7, _, _ =	vpop (xrf1)  }
0xb5: {  	v24 =	vmin.f32 v24, v26;
	v26 =	vmin.f32 v25, v27;
	v22 =	vmax.f32 v23, v28;
	v8, _, _ =	vpop (xrf1)  }
0xb6: {  	s10 =	simm.s32 $0x400;
	v27 =	vmin.f32 v23, v28;
	v23 =	vmax.f32 v29, v63;
	v25 =	vmin.f32 v29, v63;
	v9, _, _ =	vpop (xrf1)  }
.LBB2_3:
0xb7: {  	p0 =	sne.s32 s10, $0x7C00;
	v28 =	vmax.f32 v24, v26;
	v24 =	vmin.f32 v24, v26;
	v1 =	vmin.f32 v1, v5  }
0xb8: {  	v5 =	vmax.f32 v18, v20;
	v17 =	vmin.f32 v17, v21;
	(xrf1) =	vsort.ascd.msk.f32 $0xffff, v27, v27  }
0xb9: {  	v18 =	vmin.f32 v18, v20;
	v14 =	vmax.f32 v14, v16;
	(xrf1) =	vsort.ascd.msk.f32 $0xffff, v22, v22  }
0xba: {  	v15 =	vmax.f32 v2, v15;
	v16 =	vmax.f32 v19, v5;
	v2, _, _ =	vpop (xrf1);
	(xrf1) =	vsort.ascd.msk.f32 $0xffff, v25, v25  }
0xbb: {  	v5 =	vmin.f32 v19, v5;
	v19 =	vmax.f32 v17, v18;
	(xrf1) =	vsort.ascd.msk.f32 $0xffff, v23, v23  }
0xbc: {  	v17 =	vmin.f32 v17, v18;
	v18 =	vmax.f32 v14, v15;
	(xrf1) =	vsort.ascd.msk.f32 $0xffff, v24, v24  }
0xbd: {  	v12 =	vmax.f32 v12, v13;
	v14 =	vmin.f32 v14, v15;
	(xrf1) =	vsort.ascd.msk.f32 $0xffff, v28, v28  }
0xbe: {  	(xrf1) =	vsort.ascd.msk.f32 $0xffff, v1, v1  }
0xbf: {  	(xrf1) =	vsort.dscd.msk.f32 $0xffff, v16, v16  }
0xc0: {  	(xrf1) =	vsort.dscd.msk.f32 $0xffff, v5, v5  }
0xc1: {  	(xrf1) =	vsort.dscd.msk.f32 $0xffff, v19, v19;
	v1, _, _ =	vpop (xrf1)  }
0xc2: {  	(xrf1) =	vsort.dscd.msk.f32 $0xffff, v17, v17  }
0xc3: {  	(xrf1) =	vsort.dscd.msk.f32 $0xffff, v18, v18  }
0xc4: {  	v13 =	vmax.f32 v11, v4;
	v5 =	vmax.f32 v10, v3;
	(xrf1) =	vsort.dscd.msk.f32 $0xffff, v14, v14  }
0xc5: {  	v10 =	vmin.f32 v10, v3;
	v14 =	vmax.f32 v5, v13;
	(xrf1) =	vsort.dscd.msk.f32 $0xffff, v12, v12  }
0xc6: {  	v11 =	vmin.f32 v11, v4;
	v13 =	vmin.f32 v5, v13;
	(xrf1) =	vsort.dscd.msk.f32 $0xffff, v14, v14;
	v3, _, _ =	vpop (xrf1)  }
0xc7: {  	v12 =	vmin.f32 v6, v8;
	v14 =	vmax.f32 v10, v11;
	(xrf1) =	vsort.dscd.msk.f32 $0xffff, v13, v13;
	v4, _, _ =	vpop (xrf1)  }
0xc8: {  	v10 =	vmin.f32 v10, v11;
	v11 =	vmin.f32 v7, v9;
	(xrf1) =	vsort.dscd.msk.f32 $0xffff, v14, v14;
	v5, _, _ =	vpop (xrf1)  }
0xc9: {  	v13 =	vmax.f32 v6, v8;
	v14 =	vmin.f32 v12, v11;
	(xrf1) =	vsort.dscd.msk.f32 $0xffff, v10, v10;
	v6, _, _ =	vpop (xrf1)  }
0xca: {  	v15 =	vmax.f32 v7, v9;
	v10 =	vmax.f32 v12, v11;
	(xrf1) =	vsort.ascd.msk.f32 $0xffff, v14, v14;
	v7, _, _ =	vpop (xrf1)  }
0xcb: {  	v11 =	vmin.f32 v13, v15;
	(xrf1) =	vsort.ascd.msk.f32 $0xffff, v10, v10;
	v8, _, _ =	vpop (xrf1)  }
0xcc: {  	v12 =	vmax.f32 v13, v15;
	(xrf1) =	vsort.ascd.msk.f32 $0xffff, v11, v11;
	v9, _, _ =	vpop (xrf1)  }
0xcd: {  	s11 =	sshra.s32 s10, $0x2;
	(xrf1) =	vsort.ascd.msk.f32 $0xffff, v12, v12;
	v10, _, _ =	vpop (xrf1)  }
0xce: {  	v16 =	vld [tilespmem:s11+$0x80];
	v11, _, _ =	vpop (xrf1)  }
0xcf: {  	v17 =	vld [tilespmem:s11+$0x90];
	v12, _, _ =	vpop (xrf1)  }
0xd0: {  	v18 =	vld [tilespmem:s11+$0xA0];
	v13, _, _ =	vpop (xrf1)  }
0xd1: {  	v19 =	vld [tilespmem:s11+$0xB0];
	v14, _, _ =	vpop (xrf1)  }
0xd2: {  	v20 =	vld [tilespmem:s11+$0xC0];
	v15, _, _ =	vpop (xrf1)  }
0xd3: {  	v21 =	vld [tilespmem:s11+$0xD0];
	(xrf1) =	vsort.dscd.msk.f32 $0xffff, v16, v16;
	v16, _, _ =	vpop (xrf1)  }
0xd4: {  	v22 =	vld [tilespmem:s11+$0xE0];
	(xrf1) =	vsort.ascd.msk.f32 $0xffff, v17, v17;
	v17, _, _ =	vpop (xrf1)  }
0xd5: {  	v23 =	vld [tilespmem:s11+$0xF0];
	(xrf1) =	vsort.dscd.msk.f32 $0xffff, v18, v18;
	v18, _, _ =	vpop (xrf1)  }
0xd6: {  	(xrf1) =	vsort.ascd.msk.f32 $0xffff, v19, v19;
	v19, _, _ =	vpop (xrf1)  }
0xd7: {  	(xrf1) =	vsort.dscd.msk.f32 $0xffff, v20, v20;
	v20, _, _ =	vpop (xrf1)  }
0xd8: {  	(xrf1) =	vsort.ascd.msk.f32 $0xffff, v21, v21;
	v21, _, _ =	vpop (xrf1)  }
0xd9: {  	(xrf1) =	vsort.dscd.msk.f32 $0xffff, v22, v22;
	v22, _, _ =	vpop (xrf1)  }
0xda: {  	(xrf1) =	vsort.ascd.msk.f32 $0xffff, v23, v23;
	v23, _, _ =	vpop (xrf1)  }
0xdb: {  	v24 =	vmax.f32 v17, v21;
	v25 =	vmax.f32 v18, v22;
	v26 =	vmax.f32 v19, v23;
	v27, _, _ =	vpop (xrf1)  }
0xdc: {  	v17 =	vmin.f32 v17, v21;
	v19 =	vmin.f32 v19, v23;
	v28 =	vmax.f32 v20, v27  }
0xdd: {  	v18 =	vmin.f32 v18, v22;
	v20 =	vmin.f32 v20, v27;
	v21 =	vmax.f32 v17, v19  }
0xde: {  	v17 =	vmin.f32 v17, v19;
	v22 =	vmax.f32 v18, v20;
	v18 =	vmin.f32 v18, v20  }
0xdf: {  	v23 =	vmin.f32 v24, v26;
	v20 =	vmax.f32 v24, v26;
	v27 =	vmin.f32 v17, v18  }
0xe0: {  	v26 =	vmin.f32 v25, v28;
	v29 =	vmin.f32 v21, v22;
	(xrf1) =	vsort.ascd.msk.f32 $0xffff, v27, v27  }
0xe1: {  	v25 =	vmax.f32 v25, v28;
	v30 =	vmin.f32 v23, v26;
	v19, _, _ =	vpop (xrf1);
	(xrf1) =	vsort.ascd.msk.f32 $0xffff, v29, v29  }
0xe2: {  	v28 =	vmin.f32 v20, v25;
	v24, _, _ =	vpop (xrf1);
	(xrf1) =	vsort.ascd.msk.f32 $0xffff, v30, v30  }
0xe3: {  	v29 =	vmax.f32 v20, v25;
	v27, _, _ =	vpop (xrf1);
	(xrf1) =	vsort.ascd.msk.f32 $0xffff, v28, v28  }
0xe4: {  	v23 =	vmax.f32 v23, v26;
	v25, _, _ =	vpop (xrf1);
	(xrf1) =	vsort.ascd.msk.f32 $0xffff, v29, v29  }
0xe5: {  	v21 =	vmax.f32 v21, v22;
	v20, _, _ =	vpop (xrf1);
	(xrf1) =	vsort.ascd.msk.f32 $0xffff, v23, v23  }
0xe6: {  	v23 =	vmax.f32 v17, v18;
	v22, _, _ =	vpop (xrf1);
	(xrf1) =	vsort.ascd.msk.f32 $0xffff, v21, v21  }
0xe7: {  	v18, _, _ =	vpop (xrf1);
	(xrf1) =	vsort.ascd.msk.f32 $0xffff, v23, v23  }
0xe8: {  	v17, _, _ =	vpop (xrf1);
	_ =	sdelay $0x5  }
0xe9: {  	v26 =	vmax.f32 v19, v24;
	v23, _, _ =	vpop (xrf1)  }
0xea: {  	v28 =	vmin.f32 v19, v24;
	(xrf1) =	vsort.dscd.msk.f32 $0xffff, v26, v26;
	v21, _, _ =	vpop (xrf1)  }
0xeb: {  	v24 =	vmax.f32 v27, v25;
	v25 =	vmin.f32 v27, v25;
	(xrf1) =	vsort.dscd.msk.f32 $0xffff, v28, v28;
	v19, _, _ =	vpop (xrf1)  }
0xec: {  	v26 =	vmax.f32 v20, v22;
	v20 =	vmin.f32 v20, v22;
	(xrf1) =	vsort.ascd.msk.f32 $0xffff, v25, v25;
	v22, _, _ =	vpop (xrf1)  }
0xed: {  	v25 =	vmax.f32 v18, v17;
	v17 =	vmin.f32 v18, v17;
	(xrf1) =	vsort.ascd.msk.f32 $0xffff, v24, v24;
	v18, _, _ =	vpop (xrf1)  }
0xee: {  	(xrf1) =	vsort.dscd.msk.f32 $0xffff, v26, v26;
	v24 =	vperm.xlane v18, v0;
	v26 =	vperm.xlane v22, v0;
	v27, _, _ =	vpop (xrf1)  }
0xef: {  	v29 =	vperm.xlane v19, v0;
	(xrf1) =	vsort.dscd.msk.f32 $0xffff, v20, v20;
	v28 =	vperm.xlane v27, v0;
	v20, _, _ =	vpop (xrf1)  }
0xf0: {  	v31 =	vperm.xlane v21, v0;
	(xrf1) =	vsort.ascd.msk.f32 $0xffff, v17, v17;
	v30 =	vperm.xlane v20, v0;
	v17, _, _ =	vpop (xrf1)  }
0xf1: {  	v32 =	vperm.xlane v23, v0;
	(xrf1) =	vsort.ascd.msk.f32 $0xffff, v25, v25;
	v25 =	vperm.xlane v17, v0  }
0xf2: {  	v10 =	vmax.f32 v10, v23;
	v21 =	vmax.f32 v12, v21;
	v11 =	vmax.f32 v11, v17  }
0xf3: {  	v12 =	vmax.f32 v14, v19;
	v19 =	vmax.f32 v15, v27;
	v20 =	vmax.f32 v13, v20  }
0xf4: {  	v14 =	vmin.f32 v10, v12;
	v22 =	vmax.f32 v16, v22;
	v23 =	vmax.f32 v2, v18  }
0xf5: {  	v16 =	vmin.f32 v21, v22;
	v15 =	vmin.f32 v20, v23;
	v2 =	vmin.f32 v11, v19  }
0xf6: {  	v17 =	vmax.f32 v10, v12;
	v12 =	vmin.f32 v14, v16;
	v13 =	vmin.f32 v2, v15  }
0xf7: {  	v21 =	vmax.f32 v21, v22;
	v18 =	vmax.f32 v11, v19;
	v22 =	vmin.f32 v12, v13  }
0xf8: {  	v20 =	vmax.f32 v20, v23;
	v19 =	vmax.f32 v17, v21;
	v10, _, _ =	vpop (xrf1);
	(xrf1) =	vsort.dscd.msk.f32 $0xffff, v22, v22  }
0xf9: {  	v23 =	vmin.f32 v4, v26;
	v22 =	vmin.f32 v3, v24;
	v24 =	vmin.f32 v5, v28;
	v11, _, _ =	vpop (xrf1)  }
0xfa: {  	v27 =	vmin.f32 v8, v31;
	v26 =	vmin.f32 v6, v29;
	v5 =	vmin.f32 v7, v30;
	v3, _, _ =	vpop (xrf1)  }
0xfb: {  	v9 =	vmin.f32 v9, v25;
	v25 =	vmin.f32 v1, v32;
	v28 =	vmax.f32 v22, v5;
	v4, _, _ =	vpop (xrf1)  }
0xfc: {  	v29 =	vmax.f32 v23, v27;
	v31 =	vmax.f32 v26, v25;
	v30 =	vmax.f32 v24, v9;
	v6, _, _ =	vpop (xrf1)  }
0xfd: {  	v22 =	vmin.f32 v22, v5;
	v5 =	vmax.f32 v29, v31;
	v1 =	vmax.f32 v28, v30;
	v7, _, _ =	vpop (xrf1)  }
.Ltmp1:
0xfe: {  	v23 =	vmin.f32 v23, v27;
	v24 =	vmin.f32 v24, v9;
	v27 =	vmax.f32 v1, v5;
	v8, _, _ =	vpop (xrf1);
	(pc) =	sbr.rel @p0 .LBB2_3-.Ltmp1, $4  }
0xff: {  	v25 =	vmin.f32 v26, v25;
	v32 =	vmax.f32 v22, v24;
	v9, _, _ =	vpop (xrf1);
	(xrf1) =	vsort.ascd.msk.f32 $0xffff, v27, v27  }
0x100: {  	v33 =	vmax.f32 v23, v25;
	v23 =	vmin.f32 v23, v25;
	v27 =	vmin.f32 v22, v24  }
0x101: {  	v26 =	vmin.f32 v29, v31;
	v24 =	vmin.f32 v28, v30;
	v22 =	vmax.f32 v27, v23  }
0x102: {  	s10 =	sadd.s32 $0x200, s10;
	v25 =	vmin.f32 v32, v33;
	v27 =	vmin.f32 v27, v23;
	v23 =	vmax.f32 v32, v33  }
0x103: {  	(xrf1) =	vsort.ascd.msk.f32 $0xffff, v27, v27  }
0x104: {  	(xrf1) =	vsort.ascd.msk.f32 $0xffff, v22, v22  }
0x105: {  	(xrf1) =	vsort.ascd.msk.f32 $0xffff, v25, v25  }
0x106: {  	v61 =	vmin.f32 v24, v26;
	(xrf1) =	vsort.ascd.msk.f32 $0xffff, v23, v23  }
0x107: {  	v62 =	vmax.f32 v24, v26;
	(xrf1) =	vsort.ascd.msk.f32 $0xffff, v61, v61  }
0x108: {  	v1 =	vmin.f32 v1, v5;
	v63 =	vmax.f32 v18, v20;
	(xrf1) =	vsort.ascd.msk.f32 $0xffff, v62, v62  }
0x109: {  	v17 =	vmin.f32 v17, v21;
	v24 =	vmax.f32 v19, v63;
	(xrf1) =	vsort.ascd.msk.f32 $0xffff, v1, v1  }
0x10a: {  	v5 =	vmin.f32 v19, v63;
	v1 =	vmin.f32 v18, v20;
	(xrf1) =	vsort.dscd.msk.f32 $0xffff, v24, v24  }
0x10b: {  	v14 =	vmax.f32 v14, v16;
	v25 =	vmax.f32 v17, v1;
	(xrf1) =	vsort.dscd.msk.f32 $0xffff, v5, v5  }
0x10c: {  	v2 =	vmax.f32 v2, v15;
	v1 =	vmin.f32 v17, v1;
	(xrf1) =	vsort.dscd.msk.f32 $0xffff, v25, v25  }
0x10d: {  	v26 =	vmax.f32 v14, v2;
	(xrf1) =	vsort.dscd.msk.f32 $0xffff, v1, v1;
	v1 =	vmin.f32 v14, v2  }
0x10e: {  	v27 =	vmax.f32 v10, v3;
	(xrf1) =	vsort.dscd.msk.f32 $0xffff, v26, v26  }
0x10f: {  	v28 =	vmax.f32 v11, v4;
	v5, _, _ =	vpop (xrf1);
	v2 =	vmax.f32 v12, v13;
	(xrf1) =	vsort.dscd.msk.f32 $0xffff, v1, v1  }
0x110: {  	v3 =	vmin.f32 v10, v3;
	v1, _, _ =	vpop (xrf1);
	(xrf1) =	vsort.dscd.msk.f32 $0xffff, v2, v2;
	v2 =	vmin.f32 v11, v4  }
0x111: {  	v29 =	vmax.f32 v27, v28;
	v11 =	vmax.f32 v3, v2  }
0x112: {  	v30 =	vmin.f32 v27, v28;
	(xrf1) =	vsort.dscd.msk.f32 $0xffff, v29, v29;
	v10, _, _ =	vpop (xrf1);
	v2 =	vmin.f32 v3, v2  }
0x113: {  	v31 =	vmin.f32 v6, v8;
	v3 =	vmin.f32 v7, v9;
	(xrf1) =	vsort.dscd.msk.f32 $0xffff, v30, v30;
	v4, _, _ =	vpop (xrf1)  }
0x114: {  	v33 =	vmin.f32 v31, v3;
	v3 =	vmax.f32 v31, v3;
	(xrf1) =	vsort.dscd.msk.f32 $0xffff, v11, v11;
	v11, _, _ =	vpop (xrf1)  }
0x115: {  	v32 =	vmax.f32 v6, v8;
	v34 =	vmax.f32 v7, v9;
	(xrf1) =	vsort.dscd.msk.f32 $0xffff, v2, v2;
	v2, _, _ =	vpop (xrf1)  }
0x116: {  	v6 =	vmax.f32 v32, v34;
	(xrf1) =	vsort.ascd.msk.f32 $0xffff, v33, v33;
	v8, _, _ =	vpop (xrf1)  }
0x117: {  	v9 =	vmin.f32 v32, v34;
	(xrf1) =	vsort.ascd.msk.f32 $0xffff, v3, v3;
	v3, _, _ =	vpop (xrf1)  }
0x118: {  	(xrf1) =	vsort.ascd.msk.f32 $0xffff, v9, v9;
	v7, _, _ =	vpop (xrf1)  }
0x119: {  	(xrf1) =	vsort.ascd.msk.f32 $0xffff, v6, v6;
	v6, _, _ =	vpop (xrf1)  }
0x11a: {  	v9, _, _ =	vpop (xrf1)  }
0x11b: {  	v12, _, _ =	vpop (xrf1)  }
0x11c: {  	v13, _, _ =	vpop (xrf1)  }
0x11d: {  	v14, _, _ =	vpop (xrf1)  }
0x11e: {  	v15, _, _ =	vpop (xrf1)  }
0x11f: {  	v16, _, _ =	vpop (xrf1)  }
0x120: {  	v35, _, _ =	vpop (xrf1)  }
0x121: {  	v36, _, _ =	vpop (xrf1)  }
0x122: {  	v37, _, _ =	vpop (xrf1)  }
0x123: {  	v38, _, _ =	vpop (xrf1)  }
0x124: {  	v39, _, _ =	vpop (xrf1)  }
0x125: {  	v40, _, _ =	vpop (xrf1)  }
0x126: {  	v42 =	vmax.f32 v35, v39;
	v17 =	vmin.f32 v35, v39;
	v41, _, _ =	vpop (xrf1);
	v43 =	vmax.f32 v36, v40  }
0x127: {  	v18 =	vmin.f32 v36, v40;
	v44 =	vmax.f32 v37, v41;
	v45, _, _ =	vpop (xrf1);
	v19 =	vmin.f32 v37, v41  }
0x128: {  	v28 =	vmax.f32 v38, v45;
	v20 =	vmin.f32 v38, v45;
	v21 =	vmax.f32 v17, v19  }
0x129: {  	v17 =	vmin.f32 v17, v19;
	v22 =	vmax.f32 v18, v20;
	v18 =	vmin.f32 v18, v20  }
0x12a: {  	v46 =	vmax.f32 v42, v44;
	v47 =	vmin.f32 v42, v44;
	v19 =	vmin.f32 v17, v18  }
0x12b: {  	v49 =	vmin.f32 v43, v28;
	v48 =	vmin.f32 v21, v22;
	(xrf1) =	vsort.ascd.msk.f32 $0xffff, v19, v19  }
0x12c: {  	v50 =	vmax.f32 v43, v28;
	v51 =	vmin.f32 v47, v49;
	(xrf1) =	vsort.ascd.msk.f32 $0xffff, v48, v48  }
0x12d: {  	v52 =	vmin.f32 v46, v50;
	(xrf1) =	vsort.ascd.msk.f32 $0xffff, v51, v51  }
0x12e: {  	v19 =	vmax.f32 v46, v50;
	(xrf1) =	vsort.ascd.msk.f32 $0xffff, v52, v52  }
0x12f: {  	(xrf1) =	vsort.ascd.msk.f32 $0xffff, v19, v19  }
0x130: {  	v53 =	vmax.f32 v47, v49  }
0x131: {  	(xrf1) =	vsort.ascd.msk.f32 $0xffff, v53, v53  }
0x132: {  	v54 =	vmax.f32 v21, v22  }
0x133: {  	v17 =	vmax.f32 v17, v18;
	(xrf1) =	vsort.ascd.msk.f32 $0xffff, v54, v54  }
0x134: {  	(xrf1) =	vsort.ascd.msk.f32 $0xffff, v17, v17;
	_ =	sdelay $0x4  }
0x135: {  	v55, _, _ =	vpop (xrf1)  }
0x136: {  	v56, _, _ =	vpop (xrf1)  }
0x137: {  	v6 =	vmax.f32 v6, v55;
	v17 =	vperm.xlane v55, v0;
	v57, _, _ =	vpop (xrf1);
	v29 =	vperm.xlane v56, v0  }
0x138: {  	v12 =	vmax.f32 v12, v56;
	v58, _, _ =	vpop (xrf1);
	v33 =	vperm.xlane v57, v0;
	v14 =	vmax.f32 v14, v57  }
0x139: {  	v1 =	vmin.f32 v1, v17;
	v59, _, _ =	vpop (xrf1);
	v61 =	vperm.xlane v58, v0;
	v16 =	vmax.f32 v16, v58  }
0x13a: {  	v36 =	vmin.f32 v6, v14;
	v3 =	vmin.f32 v3, v29;
	v60 =	vperm.xlane v59, v0  }
0x13b: {  	v62, _, _ =	vpop (xrf1);
	v5 =	vmax.f32 v5, v59;
	v20 =	vmin.f32 v12, v16;
	v2 =	vmin.f32 v2, v33  }
0x13c: {  	v63 =	vperm.xlane v62, v0;
	v15 =	vmax.f32 v15, v62;
	v39 =	vmin.f32 v36, v20  }
0x13d: {  	v34, _, _ =	vpop (xrf1);
	v4 =	vmin.f32 v4, v61;
	v17 =	vmax.f32 v2, v1;
	v1 =	vmin.f32 v2, v1  }
0x13e: {  	v35 =	vperm.xlane v34, v0;
	v30, _, _ =	vpop (xrf1);
	v13 =	vmax.f32 v13, v34;
	v10 =	vmin.f32 v10, v60  }
0x13f: {  	v43 =	vmax.f32 v4, v3;
	v3 =	vmin.f32 v4, v3;
	v9 =	vmax.f32 v9, v30  }
0x140: {  	v21 =	vmin.f32 v13, v5;
	v38 =	vperm.xlane v30, v0;
	v11 =	vmin.f32 v11, v63  }
0x141: {  	v46 =	vmax.f32 v43, v17;
	v48 =	vmin.f32 v3, v1;
	v37 =	vmin.f32 v9, v15  }
0x142: {  	v8 =	vmin.f32 v8, v35;
	v40 =	vmin.f32 v37, v21;
	v7 =	vmin.f32 v7, v38  }
0x143: {  	v42 =	vmax.f32 v10, v8;
	v8 =	vmin.f32 v10, v8;
	v44 =	vmax.f32 v11, v7  }
0x144: {  	v41 =	vmin.f32 v39, v40;
	v47 =	vmin.f32 v11, v7;
	v45 =	vmax.f32 v42, v44  }
0x145: {  	(xrf1) =	vsort.dscd.msk.f32 $0xffff, v41, v41;
	v7 =	vmin.f32 v8, v47;
	v2 =	vmax.f32 v45, v46  }
0x146: {  	v6 =	vmax.f32 v6, v14;
	(xrf1) =	vsort.ascd.msk.f32 $0xffff, v2, v2;
	v2 =	vmin.f32 v7, v48  }
0x147: {  	v1 =	vmax.f32 v3, v1;
	v3 =	vmax.f32 v7, v48;
	(xrf1) =	vsort.ascd.msk.f32 $0xffff, v2, v2  }
0x148: {  	v12 =	vmax.f32 v12, v16;
	v4 =	vmax.f32 v8, v47;
	(xrf1) =	vsort.ascd.msk.f32 $0xffff, v3, v3  }
0x149: {  	v50 =	vmax.f32 v13, v5;
	v49 =	vmin.f32 v4, v1;
	v1 =	vmax.f32 v4, v1  }
0x14a: {  	v2 =	vmin.f32 v42, v44;
	v3 =	vmin.f32 v43, v17;
	(xrf1) =	vsort.ascd.msk.f32 $0xffff, v49, v49  }
0x14b: {  	v9 =	vmax.f32 v9, v15;
	v51 =	vmin.f32 v2, v3;
	(xrf1) =	vsort.ascd.msk.f32 $0xffff, v1, v1  }
0x14c: {  	v52 =	vmax.f32 v9, v50;
	v2 =	vmax.f32 v2, v3;
	(xrf1) =	vsort.ascd.msk.f32 $0xffff, v51, v51  }
0x14d: {  	v3 =	vmin.f32 v45, v46;
	v1 =	vmax.f32 v6, v12;
	(xrf1) =	vsort.ascd.msk.f32 $0xffff, v2, v2  }
0x14e: {  	v2 =	vmax.f32 v1, v52;
	v1 =	vmin.f32 v1, v52;
	(xrf1) =	vsort.ascd.msk.f32 $0xffff, v3, v3  }
0x14f: {  	v3 =	vmin.f32 v9, v50;
	(xrf1) =	vsort.dscd.msk.f32 $0xffff, v2, v2;
	v2 =	vmin.f32 v6, v12  }
0x150: {  	(xrf1) =	vsort.dscd.msk.f32 $0xffff, v1, v1;
	v1 =	vmax.f32 v2, v3  }
0x151: {  	v53 =	vmax.f32 v37, v21  }
0x152: {  	v2 =	vmin.f32 v2, v3;
	v3 =	vmax.f32 v36, v20;
	(xrf1) =	vsort.dscd.msk.f32 $0xffff, v1, v1  }
0x153: {  	v1, _, _ =	vpop (xrf1);
	(xrf1) =	vsort.dscd.msk.f32 $0xffff, v2, v2;
	v2 =	vmax.f32 v3, v53  }
0x154: {  	v3 =	vmin.f32 v3, v53;
	v54, _, _ =	vpop (xrf1);
	(xrf1) =	vsort.dscd.msk.f32 $0xffff, v2, v2  }
0x155: {  	v57 =	vmax.f32 v39, v40;
	v55, _, _ =	vpop (xrf1);
	(xrf1) =	vsort.dscd.msk.f32 $0xffff, v3, v3  }
0x156: {  	[tilespmem:$0x2070] =	vst v1;
	v2, _, _ =	vpop (xrf1);
	(xrf1) =	vsort.dscd.msk.f32 $0xffff, v57, v57  }
0x157: {  	[tilespmem:$0x20F0] =	vst v54  }
0x158: {  	[tilespmem:$0x2080] =	vst v55  }
0x159: {  	v56, _, _ =	vpop (xrf1);
	[tilespmem:$0x2090] =	vst v2  }
0x15a: {  	v3, _, _ =	vpop (xrf1);
	[tilespmem:$0x20A0] =	vst v56  }
0x15b: {  	v58, _, _ =	vpop (xrf1);
	[tilespmem:$0x20B0] =	vst v3  }
0x15c: {  	v59, _, _ =	vpop (xrf1);
	[tilespmem:$0x20C0] =	vst v58  }
0x15d: {  	v60, _, _ =	vpop (xrf1);
	[tilespmem:$0x20D0] =	vst v59  }
0x15e: {  	v61, _, _ =	vpop (xrf1);
	[tilespmem:$0x20E0] =	vst v60  }
0x15f: {  	[tilespmem:$0x2000] =	vst v61;
	v62, _, _ =	vpop (xrf1)  }
0x160: {  	[tilespmem:$0x2010] =	vst v62;
	v63, _, _ =	vpop (xrf1)  }
0x161: {  	[tilespmem:$0x2020] =	vst v63;
	v2, _, _ =	vpop (xrf1)  }
0x162: {  	[tilespmem:$0x2030] =	vst v2;
	v2, _, _ =	vpop (xrf1)  }
0x163: {  	s2 =	sadd.s32 $0x1, s2;
	[tilespmem:$0x2040] =	vst v2;
	v2, _, _ =	vpop (xrf1)  }
0x164: {  	p0 =	sne.s32 s2, s5;
	[tilespmem:$0x2050] =	vst v2;
	v2, _, _ =	vpop (xrf1)  }
.Ltmp2:
0x165: {  	[tilespmem:$0x2060] =	vst v2;
	(pc) =	sbr.rel @p0 .LBB2_2-.Ltmp2, $4  }
0x166: {  	[hbm4b:s3+s6] =	stream.strided.scatter [tilespmem:s9], [sflag:$0x1], $0x100, s7, s6, $0x38;
	[tilespmem:$0x2100] =	vst v63  }
0x167: {  	_ =	swait.ge [sflag:s8], $0x100  }
0x168: {  	[sflag:s8] =	ssyncset.done $0x0  }
0x169: {  	[sflag:s8] =	ssyncadd.s32 $0xFFFFFF00  }
.LBB2_5:
0x16a: {  	_ =	sfence.sel $0x180000  }
0x16b: {  	[bflag:$0x0] =	sbarrier.arrive $0xFFFF  }
0x16c: {  	p0 =	sne.s32 s1, $0x0;
	_ =	strace $0x90000047  }
0x16d: {  	s0 =	sadd.s32 @!p0 $0x100000, s0;
	[bflag:$0x2] =	sbarrier.arrive $0xFFFF  }
0x16e: {  	[sflag:s0] =	ssyncadd.tile.s32 @!p0 $0x1;
	_ =	shalt  }
.Lfunc_end2:
_tile_overlayer_lowered:
.L_overlay_start_2:
0x16f: {  	(tag) =	ssettag $0x2  }
0x170: {  	s0 =	rddreg [dreg:$0x0];
	s2 =	stileid.u32  }
0x171: {  	s1 =	rddreg [dreg:$0x1];
	p0 =	sne.s32 s2, $0x0  }
0x172: {  	s3 =	rddreg [dreg:$0x2];
	[bflag:$0x3] =	sbarrier.arrive $0xFFFF;
	s2 =	simm.s32 @!p0 $0x1C01  }
0x173: {  	[timem:s3], [sflag:s2] =	dma.local @!p0 [hbm:s0], s1  }
0x174: {  	s0 =	simm.s32 @!p0 $0x1  }
0x175: {  	_ =	swait.ge @!p0 [sflag:s0], s1  }
0x176: {  	s1 =	ssub.s32 @!p0 $0x0, s1;
	[sflag:s0] =	ssyncset.done @!p0 $0x0  }
0x177: {  	[sflag:s0] =	ssyncadd.s32 @!p0 s1  }
0x178: {  	[bflag:$0x3] =	sbarrier.arrive $0xFFFF  }
0x179: {  	_ =	shalt  }

</sc_bundles>
